<compile_context>
chip_gen: v7x
topology: tpu7x:2x2x1
jax: 0.10.2.dev20260603
libtpu: 0.0.44.dev20260713+nightly
codegen_flags: <defaults>
</compile_context>

<pallas_src>
import functools

import jax
import jax.numpy as jnp
from jax import lax
from jax.experimental import pallas as pl
from jax.experimental.pallas import tpu as pltpu
from jax.experimental.pallas import tpu_sc as plsc

HIDDEN = 4096
NUM_EXPERTS = 64
TOP_K = 8
TOKEN_TILE = 1024

_NC = 2
_NS = 16
_NW = _NC * _NS
_SLAB = 128


def _logits_kernel(x_ref, w_ref, out_ref):
    out_ref[...] = jax.lax.dot_general(
        x_ref[...], w_ref[...], (((1,), (1,)), ((), ())),
        preferred_element_type=jnp.float32,
    )


_GATHER_DNUMS = lax.GatherDimensionNumbers(
    offset_dims=(), collapsed_slice_dims=(0,), start_index_map=(0,))


def _dyn_gather(x, idx):
    return lax.gather(x, idx[:, None], _GATHER_DNUMS, (1,),
                      mode=lax.GatherScatterMode.PROMISE_IN_BOUNDS)


def _vmax_splat(x):
    iota = lax.iota(jnp.int32, 16)
    for s in (8, 4, 2, 1):
        x = jnp.maximum(x, _dyn_gather(x, jnp.bitwise_xor(iota, s)))
    return x


def _route_one_token(in_v, pr_v, mp_v, off):
    neg_inf = jnp.float32(-jnp.inf)
    vs = [in_v[pl.ds(off + k * 16, 16)] for k in range(4)]
    avail = list(vs)
    m0 = None
    denom = None
    for _ in range(TOP_K):
        m = jnp.maximum(jnp.maximum(avail[0], avail[1]),
                        jnp.maximum(avail[2], avail[3]))
        mxv = _vmax_splat(m)
        avail = [jnp.where(v == mxv, neg_inf, v) for v in avail]
        if m0 is None:
            m0 = mxv
            denom = jnp.ones((16,), dtype=jnp.float32)
        else:
            denom = denom + jnp.exp(mxv - m0)
    scale = 1.0 / denom
    for k in range(4):
        e = jnp.exp(vs[k] - m0)
        pr_v[pl.ds(off + k * 16, 16)] = e * scale
        mp_v[pl.ds(off + k * 16, 16)] = jnp.where(
            avail[k] == neg_inf, jnp.float32(1.0), jnp.float32(0.0))


def _make_sc_router(n_tokens):
    tok_per_w = n_tokens // _NW
    n_slabs = tok_per_w // _SLAB
    mesh = plsc.VectorSubcoreMesh(core_axis_name="c", subcore_axis_name="s")

    @functools.partial(
        pl.kernel, mesh=mesh,
        out_type=[
            jax.ShapeDtypeStruct((n_tokens * NUM_EXPERTS,), jnp.float32),
            jax.ShapeDtypeStruct((n_tokens * NUM_EXPERTS,), jnp.float32),
        ],
        scratch_types=[
            pltpu.VMEM((_SLAB * NUM_EXPERTS,), jnp.float32),
            pltpu.VMEM((_SLAB * NUM_EXPERTS,), jnp.float32),
            pltpu.VMEM((_SLAB * NUM_EXPERTS,), jnp.float32),
        ],
    )
    def _route(logits_hbm, probs_hbm, map_hbm, in_v, pr_v, mp_v):
        wid = lax.axis_index("s") * _NC + lax.axis_index("c")
        base_w = pl.multiple_of(wid * (tok_per_w * NUM_EXPERTS),
                                _SLAB * NUM_EXPERTS)

        def slab_body(j, carry):
            base = pl.multiple_of(base_w + j * (_SLAB * NUM_EXPERTS),
                                  _SLAB * NUM_EXPERTS)
            pltpu.sync_copy(logits_hbm.at[pl.ds(base, _SLAB * NUM_EXPERTS)],
                            in_v)

            def tok_body(t, c):
                off = pl.multiple_of(t * (2 * NUM_EXPERTS), 2 * NUM_EXPERTS)
                _route_one_token(in_v, pr_v, mp_v, off)
                _route_one_token(in_v, pr_v, mp_v, off + NUM_EXPERTS)
                return c

            lax.fori_loop(0, _SLAB // 2, tok_body, 0)
            pltpu.sync_copy(pr_v,
                            probs_hbm.at[pl.ds(base, _SLAB * NUM_EXPERTS)])
            pltpu.sync_copy(mp_v,
                            map_hbm.at[pl.ds(base, _SLAB * NUM_EXPERTS)])
            return carry

        lax.fori_loop(0, n_slabs, slab_body, 0)

    return _route


def kernel(x, W_gate):
    n_tokens = x.shape[0]
    grid = (n_tokens // TOKEN_TILE,)
    logits = pl.pallas_call(
        _logits_kernel,
        grid=grid,
        in_specs=[
            pl.BlockSpec((TOKEN_TILE, HIDDEN), lambda i: (i, 0)),
            pl.BlockSpec((NUM_EXPERTS, HIDDEN), lambda i: (0, 0)),
        ],
        out_specs=pl.BlockSpec((TOKEN_TILE, NUM_EXPERTS), lambda i: (i, 0)),
        out_shape=jax.ShapeDtypeStruct((n_tokens, NUM_EXPERTS), jnp.float32),
        compiler_params=pltpu.CompilerParams(
            dimension_semantics=("parallel",),
        ),
    )(x, W_gate)
    probs_flat, map_flat = _make_sc_router(n_tokens)(logits.reshape(-1))
    probs = probs_flat.reshape(n_tokens, NUM_EXPERTS)
    routing_map = map_flat.reshape(n_tokens, NUM_EXPERTS) != 0.0
    return probs, routing_map

# --- scband reference (transcript-rebuilt; emitter-appended) ---
"""Pipeline reference for scband-router-10488310137288 (READ-ONLY COPY).

The authoritative reference and input builder live on the scoring server;
editing this copy changes nothing except your own understanding.
"""

import jax, jax.numpy as jnp
import numpy as np

HIDDEN = 4096
NUM_EXPERTS = 64
TOP_K = 8
N_TOKENS = 32768

def setup_inputs(seed: int = 0) -> dict:
    key = jax.random.key(seed)
    k1, k2 = jax.random.split(key)
    x = jax.random.normal(k1, (N_TOKENS, HIDDEN), dtype=jnp.float32)
    # nn.Linear(hidden_size, num_experts, bias=False) -> weight [num_experts, hidden_size]
    W_gate = jax.random.normal(k2, (NUM_EXPERTS, HIDDEN), dtype=jnp.float32) * (1.0 / np.sqrt(HIDDEN))
    return {"x": x, "W_gate": W_gate}

def reference(x, W_gate):
    logits = x @ W_gate.T
    routing_probs = jax.nn.softmax(logits, axis=-1)
    top_k_probs, top_k_indices = jax.lax.top_k(routing_probs, TOP_K)
    rows = jnp.arange(routing_probs.shape[0])[:, None]
    routing_map = jnp.zeros_like(routing_probs).at[rows, top_k_indices].set(1.0).astype(bool)
    routing_probs = routing_probs / jnp.sum(top_k_probs, axis=-1, keepdims=True)
    return (routing_probs, routing_map)

if __name__ == "__main__":
    import jax
    _d = setup_inputs()
    print(jax.jit(kernel)(*tuple(_d.values())))

</pallas_src>

<mosaic_0001>
#map = affine_map<(d0, d1) -> (0)>
module attributes {stable_mosaic.version = 14 : i64} {
  func.func @_route(%arg0: i32, %arg1: i32, %arg2: memref<2097152xf32, #tpu.memory_space<hbm>>, %arg3: memref<2097152xf32, #tpu.memory_space<hbm>>, %arg4: memref<2097152xf32, #tpu.memory_space<hbm>>, %arg5: memref<8192xf32, #tpu.memory_space<vmem>>, %arg6: memref<8192xf32, #tpu.memory_space<vmem>>, %arg7: memref<8192xf32, #tpu.memory_space<vmem>>) attributes {dimension_semantics = [#tpu.dimension_semantics<core_parallel>, #tpu.dimension_semantics<subcore_parallel>], iteration_bounds = array<i64: 2, 16>, scalar_prefetch = 0 : i64, scratch_operands = 3 : i64, tpu.core_type = #tpu.core_type<sc_vector_subcore>, window_params = [{transform_indices = #map}, {transform_indices = #map}, {transform_indices = #map}]} {
    %mul3A = arith.constant 2 : i32
    %mul3A_0 = arith.muli %arg1, %mul3A : i32
    %add3A = arith.addi %mul3A_0, %arg0 : i32
    %mul3A_1 = arith.constant 65536 : i32
    %mul3A_2 = arith.muli %add3A, %mul3A_1 : i32
    %multiple_of3A = tpu.assume_multiple %mul3A_2, 8192 : i32
    %scan3A = arith.constant 0 : i32
    %scan3A_3 = arith.constant 0 : i32
    %scan3A_4 = arith.constant 8 : i32
    %scan3A_5 = arith.addi %scan3A_3, %scan3A_4 : i32
    %scan3A_6 = arith.constant 1 : i32
    scf.for %scan3A_8 = %scan3A_3 to %scan3A_5 step %scan3A_6  : i32 {
      %mul3A_9 = arith.constant 8192 : i32
      %mul3A_10 = arith.muli %scan3A_8, %mul3A_9 : i32
      %add3A_11 = arith.addi %multiple_of3A, %mul3A_10 : i32
      %multiple_of3A_12 = tpu.assume_multiple %add3A_11, 8192 : i32
      "tpu.region"() ({
        %run_scoped3A = tpu.sem_alloc : memref<!tpu.dma_semaphore, #tpu.memory_space<semaphore_mem>>
        %dma_start3A = tpu.memref_slice %arg2[%multiple_of3A_12] : memref<2097152xf32, #tpu.memory_space<hbm>> -> memref<8192xf32, #tpu.memory_space<hbm>>
        %dma_start3A_19 = tpu.memref_slice %arg2[%multiple_of3A_12] : memref<2097152xf32, #tpu.memory_space<hbm>> -> memref<8192xf32, #tpu.memory_space<hbm>>
        tpu.enqueue_dma source(%dma_start3A_19 : memref<8192xf32, #tpu.memory_space<hbm>>) target(%arg5 : memref<8192xf32, #tpu.memory_space<vmem>>) target_semaphore(%run_scoped3A : memref<!tpu.dma_semaphore, #tpu.memory_space<semaphore_mem>>)
        %dma_wait3A = tpu.memref_slice %arg2[%multiple_of3A_12] : memref<2097152xf32, #tpu.memory_space<hbm>> -> memref<8192xf32, #tpu.memory_space<hbm>>
        %dma_wait3A_20 = tpu.memref_slice %arg2[%multiple_of3A_12] : memref<2097152xf32, #tpu.memory_space<hbm>> -> memref<8192xf32, #tpu.memory_space<hbm>>
        tpu.wait_dma2 semaphore(%run_scoped3A : memref<!tpu.dma_semaphore, #tpu.memory_space<semaphore_mem>>) src(%dma_wait3A_20 : memref<8192xf32, #tpu.memory_space<hbm>>) dst(%arg5 : memref<8192xf32, #tpu.memory_space<vmem>>)
        tpu.yield
      }) : () -> ()
      %scan3A_13 = arith.constant 0 : i32
      %scan3A_14 = arith.constant 0 : i32
      %scan3A_15 = arith.constant 64 : i32
      %scan3A_16 = arith.addi %scan3A_14, %scan3A_15 : i32
      %scan3A_17 = arith.constant 1 : i32
      scf.for %scan3A_19 = %scan3A_14 to %scan3A_16 step %scan3A_17  : i32 {
        %mul3A_20 = arith.constant 128 : i32
        %mul3A_21 = arith.muli %scan3A_19, %mul3A_20 : i32
        %multiple_of3A_22 = tpu.assume_multiple %mul3A_21, 128 : i32
        %add3A_23 = arith.constant 0 : i32
        %add3A_24 = arith.addi %multiple_of3A_22, %add3A_23 : i32
        %get3A = arith.index_cast %add3A_24 : i32 to index
        %get3A_25 = tpu.vector_load %arg5[%get3A] {strides = array<i32>} : memref<8192xf32, #tpu.memory_space<vmem>>, vector<16xf32>,
        %get3A_26 = vector.shape_cast %get3A_25 : vector<16xf32> to vector<16xf32>
        %add3A_27 = arith.constant 16 : i32
        %add3A_28 = arith.addi %multiple_of3A_22, %add3A_27 : i32
        %get3A_29 = arith.index_cast %add3A_28 : i32 to index
        %get3A_30 = tpu.vector_load %arg5[%get3A_29] {strides = array<i32>} : memref<8192xf32, #tpu.memory_space<vmem>>, vector<16xf32>,
        %get3A_31 = vector.shape_cast %get3A_30 : vector<16xf32> to vector<16xf32>
        %add3A_32 = arith.constant 32 : i32
        %add3A_33 = arith.addi %multiple_of3A_22, %add3A_32 : i32
        %get3A_34 = arith.index_cast %add3A_33 : i32 to index
        %get3A_35 = tpu.vector_load %arg5[%get3A_34] {strides = array<i32>} : memref<8192xf32, #tpu.memory_space<vmem>>, vector<16xf32>,
        %get3A_36 = vector.shape_cast %get3A_35 : vector<16xf32> to vector<16xf32>
        %add3A_37 = arith.constant 48 : i32
        %add3A_38 = arith.addi %multiple_of3A_22, %add3A_37 : i32
        %get3A_39 = arith.index_cast %add3A_38 : i32 to index
        %get3A_40 = tpu.vector_load %arg5[%get3A_39] {strides = array<i32>} : memref<8192xf32, #tpu.memory_space<vmem>>, vector<16xf32>,
        %get3A_41 = vector.shape_cast %get3A_40 : vector<16xf32> to vector<16xf32>
        %max3A = arith.maximumf %get3A_26, %get3A_31 : vector<16xf32>
        %max3A_42 = arith.maximumf %get3A_36, %get3A_41 : vector<16xf32>
        %max3A_43 = arith.maximumf %max3A, %max3A_42 : vector<16xf32>
        %iota3A = tpu.iota {dimensions = array<i32: 0>} : vector<16xi32>
        %xor3A = arith.constant 8 : i32
        %xor3A_44 = vector.broadcast %xor3A : i32 to vector<16xi32>
        %xor3A_45 = arith.xori %iota3A, %xor3A_44 : vector<16xi32>
        %broadcast_in_dim3A = vector.shape_cast %xor3A_45 : vector<16xi32> to vector<16x1xi32>
        %gather3A = vector.shape_cast %broadcast_in_dim3A : vector<16x1xi32> to vector<16xi32>
        %gather3A_46 = tpu.dynamic_gather %max3A_43[%gather3A] in [0] : vector<16xf32>, vector<16xi32> -> vector<16xf32>
        %max3A_47 = arith.maximumf %max3A_43, %gather3A_46 : vector<16xf32>
        %xor3A_48 = arith.constant 4 : i32
        %xor3A_49 = vector.broadcast %xor3A_48 : i32 to vector<16xi32>
        %xor3A_50 = arith.xori %iota3A, %xor3A_49 : vector<16xi32>
        %broadcast_in_dim3A_51 = vector.shape_cast %xor3A_50 : vector<16xi32> to vector<16x1xi32>
        %gather3A_52 = vector.shape_cast %broadcast_in_dim3A_51 : vector<16x1xi32> to vector<16xi32>
        %gather3A_53 = tpu.dynamic_gather %max3A_47[%gather3A_52] in [0] : vector<16xf32>, vector<16xi32> -> vector<16xf32>
        %max3A_54 = arith.maximumf %max3A_47, %gather3A_53 : vector<16xf32>
        %xor3A_55 = arith.constant 2 : i32
        %xor3A_56 = vector.broadcast %xor3A_55 : i32 to vector<16xi32>
        %xor3A_57 = arith.xori %iota3A, %xor3A_56 : vector<16xi32>
        %broadcast_in_dim3A_58 = vector.shape_cast %xor3A_57 : vector<16xi32> to vector<16x1xi32>
        %gather3A_59 = vector.shape_cast %broadcast_in_dim3A_58 : vector<16x1xi32> to vector<16xi32>
        %gather3A_60 = tpu.dynamic_gather %max3A_54[%gather3A_59] in [0] : vector<16xf32>, vector<16xi32> -> vector<16xf32>
        %max3A_61 = arith.maximumf %max3A_54, %gather3A_60 : vector<16xf32>
        %xor3A_62 = arith.constant 1 : i32
        %xor3A_63 = vector.broadcast %xor3A_62 : i32 to vector<16xi32>
        %xor3A_64 = arith.xori %iota3A, %xor3A_63 : vector<16xi32>
        %broadcast_in_dim3A_65 = vector.shape_cast %xor3A_64 : vector<16xi32> to vector<16x1xi32>
        %gather3A_66 = vector.shape_cast %broadcast_in_dim3A_65 : vector<16x1xi32> to vector<16xi32>
        %gather3A_67 = tpu.dynamic_gather %max3A_61[%gather3A_66] in [0] : vector<16xf32>, vector<16xi32> -> vector<16xf32>
        %max3A_68 = arith.maximumf %max3A_61, %gather3A_67 : vector<16xf32>
        %eq3A = arith.cmpf oeq, %get3A_26, %max3A_68 : vector<16xf32>
        %jit3A = arith.constant 0xFF800000 : f32
        %broadcast_in_dim3A_69 = vector.broadcast %jit3A : f32 to vector<16xf32>
        %select_n3A = arith.select %eq3A, %broadcast_in_dim3A_69, %get3A_26 : vector<16xi1>, vector<16xf32>
        %eq3A_70 = arith.cmpf oeq, %get3A_31, %max3A_68 : vector<16xf32>
        %jit3A_71 = arith.constant 0xFF800000 : f32
        %broadcast_in_dim3A_72 = vector.broadcast %jit3A_71 : f32 to vector<16xf32>
        %select_n3A_73 = arith.select %eq3A_70, %broadcast_in_dim3A_72, %get3A_31 : vector<16xi1>, vector<16xf32>
        %eq3A_74 = arith.cmpf oeq, %get3A_36, %max3A_68 : vector<16xf32>
        %jit3A_75 = arith.constant 0xFF800000 : f32
        %broadcast_in_dim3A_76 = vector.broadcast %jit3A_75 : f32 to vector<16xf32>
        %select_n3A_77 = arith.select %eq3A_74, %broadcast_in_dim3A_76, %get3A_36 : vector<16xi1>, vector<16xf32>
        %eq3A_78 = arith.cmpf oeq, %get3A_41, %max3A_68 : vector<16xf32>
        %jit3A_79 = arith.constant 0xFF800000 : f32
        %broadcast_in_dim3A_80 = vector.broadcast %jit3A_79 : f32 to vector<16xf32>
        %select_n3A_81 = arith.select %eq3A_78, %broadcast_in_dim3A_80, %get3A_41 : vector<16xi1>, vector<16xf32>
        %broadcast_in_dim3A_82 = arith.constant 1.000000e+00 : f32
        %broadcast_in_dim3A_83 = vector.broadcast %broadcast_in_dim3A_82 : f32 to vector<16xf32>
        %max3A_84 = arith.maximumf %select_n3A, %select_n3A_73 : vector<16xf32>
        %max3A_85 = arith.maximumf %select_n3A_77, %select_n3A_81 : vector<16xf32>
        %max3A_86 = arith.maximumf %max3A_84, %max3A_85 : vector<16xf32>
        %iota3A_87 = tpu.iota {dimensions = array<i32: 0>} : vector<16xi32>
        %xor3A_88 = arith.constant 8 : i32
        %xor3A_89 = vector.broadcast %xor3A_88 : i32 to vector<16xi32>
        %xor3A_90 = arith.xori %iota3A_87, %xor3A_89 : vector<16xi32>
        %broadcast_in_dim3A_91 = vector.shape_cast %xor3A_90 : vector<16xi32> to vector<16x1xi32>
        %gather3A_92 = vector.shape_cast %broadcast_in_dim3A_91 : vector<16x1xi32> to vector<16xi32>
        %gather3A_93 = tpu.dynamic_gather %max3A_86[%gather3A_92] in [0] : vector<16xf32>, vector<16xi32> -> vector<16xf32>
        %max3A_94 = arith.maximumf %max3A_86, %gather3A_93 : vector<16xf32>
        %xor3A_95 = arith.constant 4 : i32
        %xor3A_96 = vector.broadcast %xor3A_95 : i32 to vector<16xi32>
        %xor3A_97 = arith.xori %iota3A_87, %xor3A_96 : vector<16xi32>
        %broadcast_in_dim3A_98 = vector.shape_cast %xor3A_97 : vector<16xi32> to vector<16x1xi32>
        %gather3A_99 = vector.shape_cast %broadcast_in_dim3A_98 : vector<16x1xi32> to vector<16xi32>
        %gather3A_100 = tpu.dynamic_gather %max3A_94[%gather3A_99] in [0] : vector<16xf32>, vector<16xi32> -> vector<16xf32>
        %max3A_101 = arith.maximumf %max3A_94, %gather3A_100 : vector<16xf32>
        %xor3A_102 = arith.constant 2 : i32
        %xor3A_103 = vector.broadcast %xor3A_102 : i32 to vector<16xi32>
        %xor3A_104 = arith.xori %iota3A_87, %xor3A_103 : vector<16xi32>
        %broadcast_in_dim3A_105 = vector.shape_cast %xor3A_104 : vector<16xi32> to vector<16x1xi32>
        %gather3A_106 = vector.shape_cast %broadcast_in_dim3A_105 : vector<16x1xi32> to vector<16xi32>
        %gather3A_107 = tpu.dynamic_gather %max3A_101[%gather3A_106] in [0] : vector<16xf32>, vector<16xi32> -> vector<16xf32>
        %max3A_108 = arith.maximumf %max3A_101, %gather3A_107 : vector<16xf32>
        %xor3A_109 = arith.constant 1 : i32
        %xor3A_110 = vector.broadcast %xor3A_109 : i32 to vector<16xi32>
        %xor3A_111 = arith.xori %iota3A_87, %xor3A_110 : vector<16xi32>
        %broadcast_in_dim3A_112 = vector.shape_cast %xor3A_111 : vector<16xi32> to vector<16x1xi32>
        %gather3A_113 = vector.shape_cast %broadcast_in_dim3A_112 : vector<16x1xi32> to vector<16xi32>
        %gather3A_114 = tpu.dynamic_gather %max3A_108[%gather3A_113] in [0] : vector<16xf32>, vector<16xi32> -> vector<16xf32>
        %max3A_115 = arith.maximumf %max3A_108, %gather3A_114 : vector<16xf32>
        %eq3A_116 = arith.cmpf oeq, %select_n3A, %max3A_115 : vector<16xf32>
        %jit3A_117 = arith.constant 0xFF800000 : f32
        %broadcast_in_dim3A_118 = vector.broadcast %jit3A_117 : f32 to vector<16xf32>
        %select_n3A_119 = arith.select %eq3A_116, %broadcast_in_dim3A_118, %select_n3A : vector<16xi1>, vector<16xf32>
        %eq3A_120 = arith.cmpf oeq, %select_n3A_73, %max3A_115 : vector<16xf32>
        %jit3A_121 = arith.constant 0xFF800000 : f32
        %broadcast_in_dim3A_122 = vector.broadcast %jit3A_121 : f32 to vector<16xf32>
        %select_n3A_123 = arith.select %eq3A_120, %broadcast_in_dim3A_122, %select_n3A_73 : vector<16xi1>, vector<16xf32>
        %eq3A_124 = arith.cmpf oeq, %select_n3A_77, %max3A_115 : vector<16xf32>
        %jit3A_125 = arith.constant 0xFF800000 : f32
        %broadcast_in_dim3A_126 = vector.broadcast %jit3A_125 : f32 to vector<16xf32>
        %select_n3A_127 = arith.select %eq3A_124, %broadcast_in_dim3A_126, %select_n3A_77 : vector<16xi1>, vector<16xf32>
        %eq3A_128 = arith.cmpf oeq, %select_n3A_81, %max3A_115 : vector<16xf32>
        %jit3A_129 = arith.constant 0xFF800000 : f32
        %broadcast_in_dim3A_130 = vector.broadcast %jit3A_129 : f32 to vector<16xf32>
        %select_n3A_131 = arith.select %eq3A_128, %broadcast_in_dim3A_130, %select_n3A_81 : vector<16xi1>, vector<16xf32>
        %sub3A = arith.subf %max3A_115, %max3A_68 : vector<16xf32>
        %exp3A = math.exp %sub3A : vector<16xf32>
        %add3A_132 = arith.addf %broadcast_in_dim3A_83, %exp3A : vector<16xf32>
        %max3A_133 = arith.maximumf %select_n3A_119, %select_n3A_123 : vector<16xf32>
        %max3A_134 = arith.maximumf %select_n3A_127, %select_n3A_131 : vector<16xf32>
        %max3A_135 = arith.maximumf %max3A_133, %max3A_134 : vector<16xf32>
        %iota3A_136 = tpu.iota {dimensions = array<i32: 0>} : vector<16xi32>
        %xor3A_137 = arith.constant 8 : i32
        %xor3A_138 = vector.broadcast %xor3A_137 : i32 to vector<16xi32>
        %xor3A_139 = arith.xori %iota3A_136, %xor3A_138 : vector<16xi32>
        %broadcast_in_dim3A_140 = vector.shape_cast %xor3A_139 : vector<16xi32> to vector<16x1xi32>
        %gather3A_141 = vector.shape_cast %broadcast_in_dim3A_140 : vector<16x1xi32> to vector<16xi32>
        %gather3A_142 = tpu.dynamic_gather %max3A_135[%gather3A_141] in [0] : vector<16xf32>, vector<16xi32> -> vector<16xf32>
        %max3A_143 = arith.maximumf %max3A_135, %gather3A_142 : vector<16xf32>
        %xor3A_144 = arith.constant 4 : i32
        %xor3A_145 = vector.broadcast %xor3A_144 : i32 to vector<16xi32>
        %xor3A_146 = arith.xori %iota3A_136, %xor3A_145 : vector<16xi32>
        %broadcast_in_dim3A_147 = vector.shape_cast %xor3A_146 : vector<16xi32> to vector<16x1xi32>
        %gather3A_148 = vector.shape_cast %broadcast_in_dim3A_147 : vector<16x1xi32> to vector<16xi32>
        %gather3A_149 = tpu.dynamic_gather %max3A_143[%gather3A_148] in [0] : vector<16xf32>, vector<16xi32> -> vector<16xf32>
        %max3A_150 = arith.maximumf %max3A_143, %gather3A_149 : vector<16xf32>
        %xor3A_151 = arith.constant 2 : i32
        %xor3A_152 = vector.broadcast %xor3A_151 : i32 to vector<16xi32>
        %xor3A_153 = arith.xori %iota3A_136, %xor3A_152 : vector<16xi32>
        %broadcast_in_dim3A_154 = vector.shape_cast %xor3A_153 : vector<16xi32> to vector<16x1xi32>
        %gather3A_155 = vector.shape_cast %broadcast_in_dim3A_154 : vector<16x1xi32> to vector<16xi32>
        %gather3A_156 = tpu.dynamic_gather %max3A_150[%gather3A_155] in [0] : vector<16xf32>, vector<16xi32> -> vector<16xf32>
        %max3A_157 = arith.maximumf %max3A_150, %gather3A_156 : vector<16xf32>
        %xor3A_158 = arith.constant 1 : i32
        %xor3A_159 = vector.broadcast %xor3A_158 : i32 to vector<16xi32>
        %xor3A_160 = arith.xori %iota3A_136, %xor3A_159 : vector<16xi32>
        %broadcast_in_dim3A_161 = vector.shape_cast %xor3A_160 : vector<16xi32> to vector<16x1xi32>
        %gather3A_162 = vector.shape_cast %broadcast_in_dim3A_161 : vector<16x1xi32> to vector<16xi32>
        %gather3A_163 = tpu.dynamic_gather %max3A_157[%gather3A_162] in [0] : vector<16xf32>, vector<16xi32> -> vector<16xf32>
        %max3A_164 = arith.maximumf %max3A_157, %gather3A_163 : vector<16xf32>
        %eq3A_165 = arith.cmpf oeq, %select_n3A_119, %max3A_164 : vector<16xf32>
        %jit3A_166 = arith.constant 0xFF800000 : f32
        %broadcast_in_dim3A_167 = vector.broadcast %jit3A_166 : f32 to vector<16xf32>
        %select_n3A_168 = arith.select %eq3A_165, %broadcast_in_dim3A_167, %select_n3A_119 : vector<16xi1>, vector<16xf32>
        %eq3A_169 = arith.cmpf oeq, %select_n3A_123, %max3A_164 : vector<16xf32>
        %jit3A_170 = arith.constant 0xFF800000 : f32
        %broadcast_in_dim3A_171 = vector.broadcast %jit3A_170 : f32 to vector<16xf32>
        %select_n3A_172 = arith.select %eq3A_169, %broadcast_in_dim3A_171, %select_n3A_123 : vector<16xi1>, vector<16xf32>
        %eq3A_173 = arith.cmpf oeq, %select_n3A_127, %max3A_164 : vector<16xf32>
        %jit3A_174 = arith.constant 0xFF800000 : f32
        %broadcast_in_dim3A_175 = vector.broadcast %jit3A_174 : f32 to vector<16xf32>
        %select_n3A_176 = arith.select %eq3A_173, %broadcast_in_dim3A_175, %select_n3A_127 : vector<16xi1>, vector<16xf32>
        %eq3A_177 = arith.cmpf oeq, %select_n3A_131, %max3A_164 : vector<16xf32>
        %jit3A_178 = arith.constant 0xFF800000 : f32
        %broadcast_in_dim3A_179 = vector.broadcast %jit3A_178 : f32 to vector<16xf32>
        %select_n3A_180 = arith.select %eq3A_177, %broadcast_in_dim3A_179, %select_n3A_131 : vector<16xi1>, vector<16xf32>
        %sub3A_181 = arith.subf %max3A_164, %max3A_68 : vector<16xf32>
        %exp3A_182 = math.exp %sub3A_181 : vector<16xf32>
        %add3A_183 = arith.addf %add3A_132, %exp3A_182 : vector<16xf32>
        %max3A_184 = arith.maximumf %select_n3A_168, %select_n3A_172 : vector<16xf32>
        %max3A_185 = arith.maximumf %select_n3A_176, %select_n3A_180 : vector<16xf32>
        %max3A_186 = arith.maximumf %max3A_184, %max3A_185 : vector<16xf32>
        %iota3A_187 = tpu.iota {dimensions = array<i32: 0>} : vector<16xi32>
        %xor3A_188 = arith.constant 8 : i32
        %xor3A_189 = vector.broadcast %xor3A_188 : i32 to vector<16xi32>
        %xor3A_190 = arith.xori %iota3A_187, %xor3A_189 : vector<16xi32>
        %broadcast_in_dim3A_191 = vector.shape_cast %xor3A_190 : vector<16xi32> to vector<16x1xi32>
        %gather3A_192 = vector.shape_cast %broadcast_in_dim3A_191 : vector<16x1xi32> to vector<16xi32>
        %gather3A_193 = tpu.dynamic_gather %max3A_186[%gather3A_192] in [0] : vector<16xf32>, vector<16xi32> -> vector<16xf32>
        %max3A_194 = arith.maximumf %max3A_186, %gather3A_193 : vector<16xf32>
        %xor3A_195 = arith.constant 4 : i32
        %xor3A_196 = vector.broadcast %xor3A_195 : i32 to vector<16xi32>
        %xor3A_197 = arith.xori %iota3A_187, %xor3A_196 : vector<16xi32>
        %broadcast_in_dim3A_198 = vector.shape_cast %xor3A_197 : vector<16xi32> to vector<16x1xi32>
        %gather3A_199 = vector.shape_cast %broadcast_in_dim3A_198 : vector<16x1xi32> to vector<16xi32>
        %gather3A_200 = tpu.dynamic_gather %max3A_194[%gather3A_199] in [0] : vector<16xf32>, vector<16xi32> -> vector<16xf32>
        %max3A_201 = arith.maximumf %max3A_194, %gather3A_200 : vector<16xf32>
        %xor3A_202 = arith.constant 2 : i32
        %xor3A_203 = vector.broadcast %xor3A_202 : i32 to vector<16xi32>
        %xor3A_204 = arith.xori %iota3A_187, %xor3A_203 : vector<16xi32>
        %broadcast_in_dim3A_205 = vector.shape_cast %xor3A_204 : vector<16xi32> to vector<16x1xi32>
        %gather3A_206 = vector.shape_cast %broadcast_in_dim3A_205 : vector<16x1xi32> to vector<16xi32>
        %gather3A_207 = tpu.dynamic_gather %max3A_201[%gather3A_206] in [0] : vector<16xf32>, vector<16xi32> -> vector<16xf32>
        %max3A_208 = arith.maximumf %max3A_201, %gather3A_207 : vector<16xf32>
        %xor3A_209 = arith.constant 1 : i32
        %xor3A_210 = vector.broadcast %xor3A_209 : i32 to vector<16xi32>
        %xor3A_211 = arith.xori %iota3A_187, %xor3A_210 : vector<16xi32>
        %broadcast_in_dim3A_212 = vector.shape_cast %xor3A_211 : vector<16xi32> to vector<16x1xi32>
        %gather3A_213 = vector.shape_cast %broadcast_in_dim3A_212 : vector<16x1xi32> to vector<16xi32>
        %gather3A_214 = tpu.dynamic_gather %max3A_208[%gather3A_213] in [0] : vector<16xf32>, vector<16xi32> -> vector<16xf32>
        %max3A_215 = arith.maximumf %max3A_208, %gather3A_214 : vector<16xf32>
        %eq3A_216 = arith.cmpf oeq, %select_n3A_168, %max3A_215 : vector<16xf32>
        %jit3A_217 = arith.constant 0xFF800000 : f32
        %broadcast_in_dim3A_218 = vector.broadcast %jit3A_217 : f32 to vector<16xf32>
        %select_n3A_219 = arith.select %eq3A_216, %broadcast_in_dim3A_218, %select_n3A_168 : vector<16xi1>, vector<16xf32>
        %eq3A_220 = arith.cmpf oeq, %select_n3A_172, %max3A_215 : vector<16xf32>
        %jit3A_221 = arith.constant 0xFF800000 : f32
        %broadcast_in_dim3A_222 = vector.broadcast %jit3A_221 : f32 to vector<16xf32>
        %select_n3A_223 = arith.select %eq3A_220, %broadcast_in_dim3A_222, %select_n3A_172 : vector<16xi1>, vector<16xf32>
        %eq3A_224 = arith.cmpf oeq, %select_n3A_176, %max3A_215 : vector<16xf32>
        %jit3A_225 = arith.constant 0xFF800000 : f32
        %broadcast_in_dim3A_226 = vector.broadcast %jit3A_225 : f32 to vector<16xf32>
        %select_n3A_227 = arith.select %eq3A_224, %broadcast_in_dim3A_226, %select_n3A_176 : vector<16xi1>, vector<16xf32>
        %eq3A_228 = arith.cmpf oeq, %select_n3A_180, %max3A_215 : vector<16xf32>
        %jit3A_229 = arith.constant 0xFF800000 : f32
        %broadcast_in_dim3A_230 = vector.broadcast %jit3A_229 : f32 to vector<16xf32>
        %select_n3A_231 = arith.select %eq3A_228, %broadcast_in_dim3A_230, %select_n3A_180 : vector<16xi1>, vector<16xf32>
        %sub3A_232 = arith.subf %max3A_215, %max3A_68 : vector<16xf32>
        %exp3A_233 = math.exp %sub3A_232 : vector<16xf32>
        %add3A_234 = arith.addf %add3A_183, %exp3A_233 : vector<16xf32>
        %max3A_235 = arith.maximumf %select_n3A_219, %select_n3A_223 : vector<16xf32>
        %max3A_236 = arith.maximumf %select_n3A_227, %select_n3A_231 : vector<16xf32>
        %max3A_237 = arith.maximumf %max3A_235, %max3A_236 : vector<16xf32>
        %iota3A_238 = tpu.iota {dimensions = array<i32: 0>} : vector<16xi32>
        %xor3A_239 = arith.constant 8 : i32
        %xor3A_240 = vector.broadcast %xor3A_239 : i32 to vector<16xi32>
        %xor3A_241 = arith.xori %iota3A_238, %xor3A_240 : vector<16xi32>
        %broadcast_in_dim3A_242 = vector.shape_cast %xor3A_241 : vector<16xi32> to vector<16x1xi32>
        %gather3A_243 = vector.shape_cast %broadcast_in_dim3A_242 : vector<16x1xi32> to vector<16xi32>
        %gather3A_244 = tpu.dynamic_gather %max3A_237[%gather3A_243] in [0] : vector<16xf32>, vector<16xi32> -> vector<16xf32>
        %max3A_245 = arith.maximumf %max3A_237, %gather3A_244 : vector<16xf32>
        %xor3A_246 = arith.constant 4 : i32
        %xor3A_247 = vector.broadcast %xor3A_246 : i32 to vector<16xi32>
        %xor3A_248 = arith.xori %iota3A_238, %xor3A_247 : vector<16xi32>
        %broadcast_in_dim3A_249 = vector.shape_cast %xor3A_248 : vector<16xi32> to vector<16x1xi32>
        %gather3A_250 = vector.shape_cast %broadcast_in_dim3A_249 : vector<16x1xi32> to vector<16xi32>
        %gather3A_251 = tpu.dynamic_gather %max3A_245[%gather3A_250] in [0] : vector<16xf32>, vector<16xi32> -> vector<16xf32>
        %max3A_252 = arith.maximumf %max3A_245, %gather3A_251 : vector<16xf32>
        %xor3A_253 = arith.constant 2 : i32
        %xor3A_254 = vector.broadcast %xor3A_253 : i32 to vector<16xi32>
        %xor3A_255 = arith.xori %iota3A_238, %xor3A_254 : vector<16xi32>
        %broadcast_in_dim3A_256 = vector.shape_cast %xor3A_255 : vector<16xi32> to vector<16x1xi32>
        %gather3A_257 = vector.shape_cast %broadcast_in_dim3A_256 : vector<16x1xi32> to vector<16xi32>
        %gather3A_258 = tpu.dynamic_gather %max3A_252[%gather3A_257] in [0] : vector<16xf32>, vector<16xi32> -> vector<16xf32>
        %max3A_259 = arith.maximumf %max3A_252, %gather3A_258 : vector<16xf32>
        %xor3A_260 = arith.constant 1 : i32
        %xor3A_261 = vector.broadcast %xor3A_260 : i32 to vector<16xi32>
        %xor3A_262 = arith.xori %iota3A_238, %xor3A_261 : vector<16xi32>
        %broadcast_in_dim3A_263 = vector.shape_cast %xor3A_262 : vector<16xi32> to vector<16x1xi32>
        %gather3A_264 = vector.shape_cast %broadcast_in_dim3A_263 : vector<16x1xi32> to vector<16xi32>
        %gather3A_265 = tpu.dynamic_gather %max3A_259[%gather3A_264] in [0] : vector<16xf32>, vector<16xi32> -> vector<16xf32>
        %max3A_266 = arith.maximumf %max3A_259, %gather3A_265 : vector<16xf32>
        %eq3A_267 = arith.cmpf oeq, %select_n3A_219, %max3A_266 : vector<16xf32>
        %jit3A_268 = arith.constant 0xFF800000 : f32
        %broadcast_in_dim3A_269 = vector.broadcast %jit3A_268 : f32 to vector<16xf32>
        %select_n3A_270 = arith.select %eq3A_267, %broadcast_in_dim3A_269, %select_n3A_219 : vector<16xi1>, vector<16xf32>
        %eq3A_271 = arith.cmpf oeq, %select_n3A_223, %max3A_266 : vector<16xf32>
        %jit3A_272 = arith.constant 0xFF800000 : f32
        %broadcast_in_dim3A_273 = vector.broadcast %jit3A_272 : f32 to vector<16xf32>
        %select_n3A_274 = arith.select %eq3A_271, %broadcast_in_dim3A_273, %select_n3A_223 : vector<16xi1>, vector<16xf32>
        %eq3A_275 = arith.cmpf oeq, %select_n3A_227, %max3A_266 : vector<16xf32>
        %jit3A_276 = arith.constant 0xFF800000 : f32
        %broadcast_in_dim3A_277 = vector.broadcast %jit3A_276 : f32 to vector<16xf32>
        %select_n3A_278 = arith.select %eq3A_275, %broadcast_in_dim3A_277, %select_n3A_227 : vector<16xi1>, vector<16xf32>
        %eq3A_279 = arith.cmpf oeq, %select_n3A_231, %max3A_266 : vector<16xf32>
        %jit3A_280 = arith.constant 0xFF800000 : f32
        %broadcast_in_dim3A_281 = vector.broadcast %jit3A_280 : f32 to vector<16xf32>
        %select_n3A_282 = arith.select %eq3A_279, %broadcast_in_dim3A_281, %select_n3A_231 : vector<16xi1>, vector<16xf32>
        %sub3A_283 = arith.subf %max3A_266, %max3A_68 : vector<16xf32>
        %exp3A_284 = math.exp %sub3A_283 : vector<16xf32>
        %add3A_285 = arith.addf %add3A_234, %exp3A_284 : vector<16xf32>
        %max3A_286 = arith.maximumf %select_n3A_270, %select_n3A_274 : vector<16xf32>
        %max3A_287 = arith.maximumf %select_n3A_278, %select_n3A_282 : vector<16xf32>
        %max3A_288 = arith.maximumf %max3A_286, %max3A_287 : vector<16xf32>
        %iota3A_289 = tpu.iota {dimensions = array<i32: 0>} : vector<16xi32>
        %xor3A_290 = arith.constant 8 : i32
        %xor3A_291 = vector.broadcast %xor3A_290 : i32 to vector<16xi32>
        %xor3A_292 = arith.xori %iota3A_289, %xor3A_291 : vector<16xi32>
        %broadcast_in_dim3A_293 = vector.shape_cast %xor3A_292 : vector<16xi32> to vector<16x1xi32>
        %gather3A_294 = vector.shape_cast %broadcast_in_dim3A_293 : vector<16x1xi32> to vector<16xi32>
        %gather3A_295 = tpu.dynamic_gather %max3A_288[%gather3A_294] in [0] : vector<16xf32>, vector<16xi32> -> vector<16xf32>
        %max3A_296 = arith.maximumf %max3A_288, %gather3A_295 : vector<16xf32>
        %xor3A_297 = arith.constant 4 : i32
        %xor3A_298 = vector.broadcast %xor3A_297 : i32 to vector<16xi32>
        %xor3A_299 = arith.xori %iota3A_289, %xor3A_298 : vector<16xi32>
        %broadcast_in_dim3A_300 = vector.shape_cast %xor3A_299 : vector<16xi32> to vector<16x1xi32>
        %gather3A_301 = vector.shape_cast %broadcast_in_dim3A_300 : vector<16x1xi32> to vector<16xi32>
        %gather3A_302 = tpu.dynamic_gather %max3A_296[%gather3A_301] in [0] : vector<16xf32>, vector<16xi32> -> vector<16xf32>
        %max3A_303 = arith.maximumf %max3A_296, %gather3A_302 : vector<16xf32>
        %xor3A_304 = arith.constant 2 : i32
        %xor3A_305 = vector.broadcast %xor3A_304 : i32 to vector<16xi32>
        %xor3A_306 = arith.xori %iota3A_289, %xor3A_305 : vector<16xi32>
        %broadcast_in_dim3A_307 = vector.shape_cast %xor3A_306 : vector<16xi32> to vector<16x1xi32>
        %gather3A_308 = vector.shape_cast %broadcast_in_dim3A_307 : vector<16x1xi32> to vector<16xi32>
        %gather3A_309 = tpu.dynamic_gather %max3A_303[%gather3A_308] in [0] : vector<16xf32>, vector<16xi32> -> vector<16xf32>
        %max3A_310 = arith.maximumf %max3A_303, %gather3A_309 : vector<16xf32>
        %xor3A_311 = arith.constant 1 : i32
        %xor3A_312 = vector.broadcast %xor3A_311 : i32 to vector<16xi32>
        %xor3A_313 = arith.xori %iota3A_289, %xor3A_312 : vector<16xi32>
        %broadcast_in_dim3A_314 = vector.shape_cast %xor3A_313 : vector<16xi32> to vector<16x1xi32>
        %gather3A_315 = vector.shape_cast %broadcast_in_dim3A_314 : vector<16x1xi32> to vector<16xi32>
        %gather3A_316 = tpu.dynamic_gather %max3A_310[%gather3A_315] in [0] : vector<16xf32>, vector<16xi32> -> vector<16xf32>
        %max3A_317 = arith.maximumf %max3A_310, %gather3A_316 : vector<16xf32>
        %eq3A_318 = arith.cmpf oeq, %select_n3A_270, %max3A_317 : vector<16xf32>
        %jit3A_319 = arith.constant 0xFF800000 : f32
        %broadcast_in_dim3A_320 = vector.broadcast %jit3A_319 : f32 to vector<16xf32>
        %select_n3A_321 = arith.select %eq3A_318, %broadcast_in_dim3A_320, %select_n3A_270 : vector<16xi1>, vector<16xf32>
        %eq3A_322 = arith.cmpf oeq, %select_n3A_274, %max3A_317 : vector<16xf32>
        %jit3A_323 = arith.constant 0xFF800000 : f32
        %broadcast_in_dim3A_324 = vector.broadcast %jit3A_323 : f32 to vector<16xf32>
        %select_n3A_325 = arith.select %eq3A_322, %broadcast_in_dim3A_324, %select_n3A_274 : vector<16xi1>, vector<16xf32>
        %eq3A_326 = arith.cmpf oeq, %select_n3A_278, %max3A_317 : vector<16xf32>
        %jit3A_327 = arith.constant 0xFF800000 : f32
        %broadcast_in_dim3A_328 = vector.broadcast %jit3A_327 : f32 to vector<16xf32>
        %select_n3A_329 = arith.select %eq3A_326, %broadcast_in_dim3A_328, %select_n3A_278 : vector<16xi1>, vector<16xf32>
        %eq3A_330 = arith.cmpf oeq, %select_n3A_282, %max3A_317 : vector<16xf32>
        %jit3A_331 = arith.constant 0xFF800000 : f32
        %broadcast_in_dim3A_332 = vector.broadcast %jit3A_331 : f32 to vector<16xf32>
        %select_n3A_333 = arith.select %eq3A_330, %broadcast_in_dim3A_332, %select_n3A_282 : vector<16xi1>, vector<16xf32>
        %sub3A_334 = arith.subf %max3A_317, %max3A_68 : vector<16xf32>
        %exp3A_335 = math.exp %sub3A_334 : vector<16xf32>
        %add3A_336 = arith.addf %add3A_285, %exp3A_335 : vector<16xf32>
        %max3A_337 = arith.maximumf %select_n3A_321, %select_n3A_325 : vector<16xf32>
        %max3A_338 = arith.maximumf %select_n3A_329, %select_n3A_333 : vector<16xf32>
        %max3A_339 = arith.maximumf %max3A_337, %max3A_338 : vector<16xf32>
        %iota3A_340 = tpu.iota {dimensions = array<i32: 0>} : vector<16xi32>
        %xor3A_341 = arith.constant 8 : i32
        %xor3A_342 = vector.broadcast %xor3A_341 : i32 to vector<16xi32>
        %xor3A_343 = arith.xori %iota3A_340, %xor3A_342 : vector<16xi32>
        %broadcast_in_dim3A_344 = vector.shape_cast %xor3A_343 : vector<16xi32> to vector<16x1xi32>
        %gather3A_345 = vector.shape_cast %broadcast_in_dim3A_344 : vector<16x1xi32> to vector<16xi32>
        %gather3A_346 = tpu.dynamic_gather %max3A_339[%gather3A_345] in [0] : vector<16xf32>, vector<16xi32> -> vector<16xf32>
        %max3A_347 = arith.maximumf %max3A_339, %gather3A_346 : vector<16xf32>
        %xor3A_348 = arith.constant 4 : i32
        %xor3A_349 = vector.broadcast %xor3A_348 : i32 to vector<16xi32>
        %xor3A_350 = arith.xori %iota3A_340, %xor3A_349 : vector<16xi32>
        %broadcast_in_dim3A_351 = vector.shape_cast %xor3A_350 : vector<16xi32> to vector<16x1xi32>
        %gather3A_352 = vector.shape_cast %broadcast_in_dim3A_351 : vector<16x1xi32> to vector<16xi32>
        %gather3A_353 = tpu.dynamic_gather %max3A_347[%gather3A_352] in [0] : vector<16xf32>, vector<16xi32> -> vector<16xf32>
        %max3A_354 = arith.maximumf %max3A_347, %gather3A_353 : vector<16xf32>
        %xor3A_355 = arith.constant 2 : i32
        %xor3A_356 = vector.broadcast %xor3A_355 : i32 to vector<16xi32>
        %xor3A_357 = arith.xori %iota3A_340, %xor3A_356 : vector<16xi32>
        %broadcast_in_dim3A_358 = vector.shape_cast %xor3A_357 : vector<16xi32> to vector<16x1xi32>
        %gather3A_359 = vector.shape_cast %broadcast_in_dim3A_358 : vector<16x1xi32> to vector<16xi32>
        %gather3A_360 = tpu.dynamic_gather %max3A_354[%gather3A_359] in [0] : vector<16xf32>, vector<16xi32> -> vector<16xf32>
        %max3A_361 = arith.maximumf %max3A_354, %gather3A_360 : vector<16xf32>
        %xor3A_362 = arith.constant 1 : i32
        %xor3A_363 = vector.broadcast %xor3A_362 : i32 to vector<16xi32>
        %xor3A_364 = arith.xori %iota3A_340, %xor3A_363 : vector<16xi32>
        %broadcast_in_dim3A_365 = vector.shape_cast %xor3A_364 : vector<16xi32> to vector<16x1xi32>
        %gather3A_366 = vector.shape_cast %broadcast_in_dim3A_365 : vector<16x1xi32> to vector<16xi32>
        %gather3A_367 = tpu.dynamic_gather %max3A_361[%gather3A_366] in [0] : vector<16xf32>, vector<16xi32> -> vector<16xf32>
        %max3A_368 = arith.maximumf %max3A_361, %gather3A_367 : vector<16xf32>
        %eq3A_369 = arith.cmpf oeq, %select_n3A_321, %max3A_368 : vector<16xf32>
        %jit3A_370 = arith.constant 0xFF800000 : f32
        %broadcast_in_dim3A_371 = vector.broadcast %jit3A_370 : f32 to vector<16xf32>
        %select_n3A_372 = arith.select %eq3A_369, %broadcast_in_dim3A_371, %select_n3A_321 : vector<16xi1>, vector<16xf32>
        %eq3A_373 = arith.cmpf oeq, %select_n3A_325, %max3A_368 : vector<16xf32>
        %jit3A_374 = arith.constant 0xFF800000 : f32
        %broadcast_in_dim3A_375 = vector.broadcast %jit3A_374 : f32 to vector<16xf32>
        %select_n3A_376 = arith.select %eq3A_373, %broadcast_in_dim3A_375, %select_n3A_325 : vector<16xi1>, vector<16xf32>
        %eq3A_377 = arith.cmpf oeq, %select_n3A_329, %max3A_368 : vector<16xf32>
        %jit3A_378 = arith.constant 0xFF800000 : f32
        %broadcast_in_dim3A_379 = vector.broadcast %jit3A_378 : f32 to vector<16xf32>
        %select_n3A_380 = arith.select %eq3A_377, %broadcast_in_dim3A_379, %select_n3A_329 : vector<16xi1>, vector<16xf32>
        %eq3A_381 = arith.cmpf oeq, %select_n3A_333, %max3A_368 : vector<16xf32>
        %jit3A_382 = arith.constant 0xFF800000 : f32
        %broadcast_in_dim3A_383 = vector.broadcast %jit3A_382 : f32 to vector<16xf32>
        %select_n3A_384 = arith.select %eq3A_381, %broadcast_in_dim3A_383, %select_n3A_333 : vector<16xi1>, vector<16xf32>
        %sub3A_385 = arith.subf %max3A_368, %max3A_68 : vector<16xf32>
        %exp3A_386 = math.exp %sub3A_385 : vector<16xf32>
        %add3A_387 = arith.addf %add3A_336, %exp3A_386 : vector<16xf32>
        %max3A_388 = arith.maximumf %select_n3A_372, %select_n3A_376 : vector<16xf32>
        %max3A_389 = arith.maximumf %select_n3A_380, %select_n3A_384 : vector<16xf32>
        %max3A_390 = arith.maximumf %max3A_388, %max3A_389 : vector<16xf32>
        %iota3A_391 = tpu.iota {dimensions = array<i32: 0>} : vector<16xi32>
        %xor3A_392 = arith.constant 8 : i32
        %xor3A_393 = vector.broadcast %xor3A_392 : i32 to vector<16xi32>
        %xor3A_394 = arith.xori %iota3A_391, %xor3A_393 : vector<16xi32>
        %broadcast_in_dim3A_395 = vector.shape_cast %xor3A_394 : vector<16xi32> to vector<16x1xi32>
        %gather3A_396 = vector.shape_cast %broadcast_in_dim3A_395 : vector<16x1xi32> to vector<16xi32>
        %gather3A_397 = tpu.dynamic_gather %max3A_390[%gather3A_396] in [0] : vector<16xf32>, vector<16xi32> -> vector<16xf32>
        %max3A_398 = arith.maximumf %max3A_390, %gather3A_397 : vector<16xf32>
        %xor3A_399 = arith.constant 4 : i32
        %xor3A_400 = vector.broadcast %xor3A_399 : i32 to vector<16xi32>
        %xor3A_401 = arith.xori %iota3A_391, %xor3A_400 : vector<16xi32>
        %broadcast_in_dim3A_402 = vector.shape_cast %xor3A_401 : vector<16xi32> to vector<16x1xi32>
        %gather3A_403 = vector.shape_cast %broadcast_in_dim3A_402 : vector<16x1xi32> to vector<16xi32>
        %gather3A_404 = tpu.dynamic_gather %max3A_398[%gather3A_403] in [0] : vector<16xf32>, vector<16xi32> -> vector<16xf32>
        %max3A_405 = arith.maximumf %max3A_398, %gather3A_404 : vector<16xf32>
        %xor3A_406 = arith.constant 2 : i32
        %xor3A_407 = vector.broadcast %xor3A_406 : i32 to vector<16xi32>
        %xor3A_408 = arith.xori %iota3A_391, %xor3A_407 : vector<16xi32>
        %broadcast_in_dim3A_409 = vector.shape_cast %xor3A_408 : vector<16xi32> to vector<16x1xi32>
        %gather3A_410 = vector.shape_cast %broadcast_in_dim3A_409 : vector<16x1xi32> to vector<16xi32>
        %gather3A_411 = tpu.dynamic_gather %max3A_405[%gather3A_410] in [0] : vector<16xf32>, vector<16xi32> -> vector<16xf32>
        %max3A_412 = arith.maximumf %max3A_405, %gather3A_411 : vector<16xf32>
        %xor3A_413 = arith.constant 1 : i32
        %xor3A_414 = vector.broadcast %xor3A_413 : i32 to vector<16xi32>
        %xor3A_415 = arith.xori %iota3A_391, %xor3A_414 : vector<16xi32>
        %broadcast_in_dim3A_416 = vector.shape_cast %xor3A_415 : vector<16xi32> to vector<16x1xi32>
        %gather3A_417 = vector.shape_cast %broadcast_in_dim3A_416 : vector<16x1xi32> to vector<16xi32>
        %gather3A_418 = tpu.dynamic_gather %max3A_412[%gather3A_417] in [0] : vector<16xf32>, vector<16xi32> -> vector<16xf32>
        %max3A_419 = arith.maximumf %max3A_412, %gather3A_418 : vector<16xf32>
        %eq3A_420 = arith.cmpf oeq, %select_n3A_372, %max3A_419 : vector<16xf32>
        %jit3A_421 = arith.constant 0xFF800000 : f32
        %broadcast_in_dim3A_422 = vector.broadcast %jit3A_421 : f32 to vector<16xf32>
        %select_n3A_423 = arith.select %eq3A_420, %broadcast_in_dim3A_422, %select_n3A_372 : vector<16xi1>, vector<16xf32>
        %eq3A_424 = arith.cmpf oeq, %select_n3A_376, %max3A_419 : vector<16xf32>
        %jit3A_425 = arith.constant 0xFF800000 : f32
        %broadcast_in_dim3A_426 = vector.broadcast %jit3A_425 : f32 to vector<16xf32>
        %select_n3A_427 = arith.select %eq3A_424, %broadcast_in_dim3A_426, %select_n3A_376 : vector<16xi1>, vector<16xf32>
        %eq3A_428 = arith.cmpf oeq, %select_n3A_380, %max3A_419 : vector<16xf32>
        %jit3A_429 = arith.constant 0xFF800000 : f32
        %broadcast_in_dim3A_430 = vector.broadcast %jit3A_429 : f32 to vector<16xf32>
        %select_n3A_431 = arith.select %eq3A_428, %broadcast_in_dim3A_430, %select_n3A_380 : vector<16xi1>, vector<16xf32>
        %eq3A_432 = arith.cmpf oeq, %select_n3A_384, %max3A_419 : vector<16xf32>
        %jit3A_433 = arith.constant 0xFF800000 : f32
        %broadcast_in_dim3A_434 = vector.broadcast %jit3A_433 : f32 to vector<16xf32>
        %select_n3A_435 = arith.select %eq3A_432, %broadcast_in_dim3A_434, %select_n3A_384 : vector<16xi1>, vector<16xf32>
        %sub3A_436 = arith.subf %max3A_419, %max3A_68 : vector<16xf32>
        %exp3A_437 = math.exp %sub3A_436 : vector<16xf32>
        %add3A_438 = arith.addf %add3A_387, %exp3A_437 : vector<16xf32>
        %div3A = arith.constant 1.000000e+00 : f32
        %div3A_439 = vector.broadcast %div3A : f32 to vector<16xf32>
        %div3A_440 = arith.divf %div3A_439, %add3A_438 : vector<16xf32>
        %sub3A_441 = arith.subf %get3A_26, %max3A_68 : vector<16xf32>
        %exp3A_442 = math.exp %sub3A_441 : vector<16xf32>
        %mul3A_443 = arith.mulf %exp3A_442, %div3A_440 : vector<16xf32>
        %add3A_444 = arith.constant 0 : i32
        %add3A_445 = arith.addi %multiple_of3A_22, %add3A_444 : i32
        %swap3A = arith.index_cast %add3A_445 : i32 to index
        %swap3A_446 = tpu.vector_load %arg6[%swap3A] {strides = array<i32>} : memref<8192xf32, #tpu.memory_space<vmem>>, vector<16xf32>,
        %swap3A_447 = vector.shape_cast %swap3A_446 : vector<16xf32> to vector<16xf32>
        %swap3A_448 = vector.shape_cast %mul3A_443 : vector<16xf32> to vector<16xf32>
        tpu.vector_store %arg6[%swap3A], %swap3A_448 {strides = array<i32>} : memref<8192xf32, #tpu.memory_space<vmem>>, vector<16xf32>,
        %eq3A_449 = arith.constant 0xFF800000 : f32
        %eq3A_450 = vector.broadcast %eq3A_449 : f32 to vector<16xf32>
        %eq3A_451 = arith.cmpf oeq, %select_n3A_423, %eq3A_450 : vector<16xf32>
        %jit3A_452 = arith.constant 1.000000e+00 : f32
        %jit3A_453 = arith.constant 0.000000e+00 : f32
        %broadcast_in_dim3A_454 = vector.broadcast %jit3A_452 : f32 to vector<16xf32>
        %broadcast_in_dim3A_455 = vector.broadcast %jit3A_453 : f32 to vector<16xf32>
        %select_n3A_456 = arith.select %eq3A_451, %broadcast_in_dim3A_454, %broadcast_in_dim3A_455 : vector<16xi1>, vector<16xf32>
        %add3A_457 = arith.constant 0 : i32
        %add3A_458 = arith.addi %multiple_of3A_22, %add3A_457 : i32
        %swap3A_459 = arith.index_cast %add3A_458 : i32 to index
        %swap3A_460 = tpu.vector_load %arg7[%swap3A_459] {strides = array<i32>} : memref<8192xf32, #tpu.memory_space<vmem>>, vector<16xf32>,
        %swap3A_461 = vector.shape_cast %swap3A_460 : vector<16xf32> to vector<16xf32>
        %swap3A_462 = vector.shape_cast %select_n3A_456 : vector<16xf32> to vector<16xf32>
        tpu.vector_store %arg7[%swap3A_459], %swap3A_462 {strides = array<i32>} : memref<8192xf32, #tpu.memory_space<vmem>>, vector<16xf32>,
        %sub3A_463 = arith.subf %get3A_31, %max3A_68 : vector<16xf32>
        %exp3A_464 = math.exp %sub3A_463 : vector<16xf32>
        %mul3A_465 = arith.mulf %exp3A_464, %div3A_440 : vector<16xf32>
        %add3A_466 = arith.constant 16 : i32
        %add3A_467 = arith.addi %multiple_of3A_22, %add3A_466 : i32
        %swap3A_468 = arith.index_cast %add3A_467 : i32 to index
        %swap3A_469 = tpu.vector_load %arg6[%swap3A_468] {strides = array<i32>} : memref<8192xf32, #tpu.memory_space<vmem>>, vector<16xf32>,
        %swap3A_470 = vector.shape_cast %swap3A_469 : vector<16xf32> to vector<16xf32>
        %swap3A_471 = vector.shape_cast %mul3A_465 : vector<16xf32> to vector<16xf32>
        tpu.vector_store %arg6[%swap3A_468], %swap3A_471 {strides = array<i32>} : memref<8192xf32, #tpu.memory_space<vmem>>, vector<16xf32>,
        %eq3A_472 = arith.constant 0xFF800000 : f32
        %eq3A_473 = vector.broadcast %eq3A_472 : f32 to vector<16xf32>
        %eq3A_474 = arith.cmpf oeq, %select_n3A_427, %eq3A_473 : vector<16xf32>
        %jit3A_475 = arith.constant 1.000000e+00 : f32
        %jit3A_476 = arith.constant 0.000000e+00 : f32
        %broadcast_in_dim3A_477 = vector.broadcast %jit3A_475 : f32 to vector<16xf32>
        %broadcast_in_dim3A_478 = vector.broadcast %jit3A_476 : f32 to vector<16xf32>
        %select_n3A_479 = arith.select %eq3A_474, %broadcast_in_dim3A_477, %broadcast_in_dim3A_478 : vector<16xi1>, vector<16xf32>
        %add3A_480 = arith.constant 16 : i32
        %add3A_481 = arith.addi %multiple_of3A_22, %add3A_480 : i32
        %swap3A_482 = arith.index_cast %add3A_481 : i32 to index
        %swap3A_483 = tpu.vector_load %arg7[%swap3A_482] {strides = array<i32>} : memref<8192xf32, #tpu.memory_space<vmem>>, vector<16xf32>,
        %swap3A_484 = vector.shape_cast %swap3A_483 : vector<16xf32> to vector<16xf32>
        %swap3A_485 = vector.shape_cast %select_n3A_479 : vector<16xf32> to vector<16xf32>
        tpu.vector_store %arg7[%swap3A_482], %swap3A_485 {strides = array<i32>} : memref<8192xf32, #tpu.memory_space<vmem>>, vector<16xf32>,
        %sub3A_486 = arith.subf %get3A_36, %max3A_68 : vector<16xf32>
        %exp3A_487 = math.exp %sub3A_486 : vector<16xf32>
        %mul3A_488 = arith.mulf %exp3A_487, %div3A_440 : vector<16xf32>
        %add3A_489 = arith.constant 32 : i32
        %add3A_490 = arith.addi %multiple_of3A_22, %add3A_489 : i32
        %swap3A_491 = arith.index_cast %add3A_490 : i32 to index
        %swap3A_492 = tpu.vector_load %arg6[%swap3A_491] {strides = array<i32>} : memref<8192xf32, #tpu.memory_space<vmem>>, vector<16xf32>,
        %swap3A_493 = vector.shape_cast %swap3A_492 : vector<16xf32> to vector<16xf32>
        %swap3A_494 = vector.shape_cast %mul3A_488 : vector<16xf32> to vector<16xf32>
        tpu.vector_store %arg6[%swap3A_491], %swap3A_494 {strides = array<i32>} : memref<8192xf32, #tpu.memory_space<vmem>>, vector<16xf32>,
        %eq3A_495 = arith.constant 0xFF800000 : f32
        %eq3A_496 = vector.broadcast %eq3A_495 : f32 to vector<16xf32>
        %eq3A_497 = arith.cmpf oeq, %select_n3A_431, %eq3A_496 : vector<16xf32>
        %jit3A_498 = arith.constant 1.000000e+00 : f32
        %jit3A_499 = arith.constant 0.000000e+00 : f32
        %broadcast_in_dim3A_500 = vector.broadcast %jit3A_498 : f32 to vector<16xf32>
        %broadcast_in_dim3A_501 = vector.broadcast %jit3A_499 : f32 to vector<16xf32>
        %select_n3A_502 = arith.select %eq3A_497, %broadcast_in_dim3A_500, %broadcast_in_dim3A_501 : vector<16xi1>, vector<16xf32>
        %add3A_503 = arith.constant 32 : i32
        %add3A_504 = arith.addi %multiple_of3A_22, %add3A_503 : i32
        %swap3A_505 = arith.index_cast %add3A_504 : i32 to index
        %swap3A_506 = tpu.vector_load %arg7[%swap3A_505] {strides = array<i32>} : memref<8192xf32, #tpu.memory_space<vmem>>, vector<16xf32>,
        %swap3A_507 = vector.shape_cast %swap3A_506 : vector<16xf32> to vector<16xf32>
        %swap3A_508 = vector.shape_cast %select_n3A_502 : vector<16xf32> to vector<16xf32>
        tpu.vector_store %arg7[%swap3A_505], %swap3A_508 {strides = array<i32>} : memref<8192xf32, #tpu.memory_space<vmem>>, vector<16xf32>,
        %sub3A_509 = arith.subf %get3A_41, %max3A_68 : vector<16xf32>
        %exp3A_510 = math.exp %sub3A_509 : vector<16xf32>
        %mul3A_511 = arith.mulf %exp3A_510, %div3A_440 : vector<16xf32>
        %add3A_512 = arith.constant 48 : i32
        %add3A_513 = arith.addi %multiple_of3A_22, %add3A_512 : i32
        %swap3A_514 = arith.index_cast %add3A_513 : i32 to index
        %swap3A_515 = tpu.vector_load %arg6[%swap3A_514] {strides = array<i32>} : memref<8192xf32, #tpu.memory_space<vmem>>, vector<16xf32>,
        %swap3A_516 = vector.shape_cast %swap3A_515 : vector<16xf32> to vector<16xf32>
        %swap3A_517 = vector.shape_cast %mul3A_511 : vector<16xf32> to vector<16xf32>
        tpu.vector_store %arg6[%swap3A_514], %swap3A_517 {strides = array<i32>} : memref<8192xf32, #tpu.memory_space<vmem>>, vector<16xf32>,
        %eq3A_518 = arith.constant 0xFF800000 : f32
        %eq3A_519 = vector.broadcast %eq3A_518 : f32 to vector<16xf32>
        %eq3A_520 = arith.cmpf oeq, %select_n3A_435, %eq3A_519 : vector<16xf32>
        %jit3A_521 = arith.constant 1.000000e+00 : f32
        %jit3A_522 = arith.constant 0.000000e+00 : f32
        %broadcast_in_dim3A_523 = vector.broadcast %jit3A_521 : f32 to vector<16xf32>
        %broadcast_in_dim3A_524 = vector.broadcast %jit3A_522 : f32 to vector<16xf32>
        %select_n3A_525 = arith.select %eq3A_520, %broadcast_in_dim3A_523, %broadcast_in_dim3A_524 : vector<16xi1>, vector<16xf32>
        %add3A_526 = arith.constant 48 : i32
        %add3A_527 = arith.addi %multiple_of3A_22, %add3A_526 : i32
        %swap3A_528 = arith.index_cast %add3A_527 : i32 to index
        %swap3A_529 = tpu.vector_load %arg7[%swap3A_528] {strides = array<i32>} : memref<8192xf32, #tpu.memory_space<vmem>>, vector<16xf32>,
        %swap3A_530 = vector.shape_cast %swap3A_529 : vector<16xf32> to vector<16xf32>
        %swap3A_531 = vector.shape_cast %select_n3A_525 : vector<16xf32> to vector<16xf32>
        tpu.vector_store %arg7[%swap3A_528], %swap3A_531 {strides = array<i32>} : memref<8192xf32, #tpu.memory_space<vmem>>, vector<16xf32>,
        %add3A_532 = arith.constant 64 : i32
        %add3A_533 = arith.addi %multiple_of3A_22, %add3A_532 : i32
        %add3A_534 = arith.constant 0 : i32
        %add3A_535 = arith.addi %add3A_533, %add3A_534 : i32
        %get3A_536 = arith.index_cast %add3A_535 : i32 to index
        %get3A_537 = tpu.vector_load %arg5[%get3A_536] {strides = array<i32>} : memref<8192xf32, #tpu.memory_space<vmem>>, vector<16xf32>,
        %get3A_538 = vector.shape_cast %get3A_537 : vector<16xf32> to vector<16xf32>
        %add3A_539 = arith.constant 16 : i32
        %add3A_540 = arith.addi %add3A_533, %add3A_539 : i32
        %get3A_541 = arith.index_cast %add3A_540 : i32 to index
        %get3A_542 = tpu.vector_load %arg5[%get3A_541] {strides = array<i32>} : memref<8192xf32, #tpu.memory_space<vmem>>, vector<16xf32>,
        %get3A_543 = vector.shape_cast %get3A_542 : vector<16xf32> to vector<16xf32>
        %add3A_544 = arith.constant 32 : i32
        %add3A_545 = arith.addi %add3A_533, %add3A_544 : i32
        %get3A_546 = arith.index_cast %add3A_545 : i32 to index
        %get3A_547 = tpu.vector_load %arg5[%get3A_546] {strides = array<i32>} : memref<8192xf32, #tpu.memory_space<vmem>>, vector<16xf32>,
        %get3A_548 = vector.shape_cast %get3A_547 : vector<16xf32> to vector<16xf32>
        %add3A_549 = arith.constant 48 : i32
        %add3A_550 = arith.addi %add3A_533, %add3A_549 : i32
        %get3A_551 = arith.index_cast %add3A_550 : i32 to index
        %get3A_552 = tpu.vector_load %arg5[%get3A_551] {strides = array<i32>} : memref<8192xf32, #tpu.memory_space<vmem>>, vector<16xf32>,
        %get3A_553 = vector.shape_cast %get3A_552 : vector<16xf32> to vector<16xf32>
        %max3A_554 = arith.maximumf %get3A_538, %get3A_543 : vector<16xf32>
        %max3A_555 = arith.maximumf %get3A_548, %get3A_553 : vector<16xf32>
        %max3A_556 = arith.maximumf %max3A_554, %max3A_555 : vector<16xf32>
        %iota3A_557 = tpu.iota {dimensions = array<i32: 0>} : vector<16xi32>
        %xor3A_558 = arith.constant 8 : i32
        %xor3A_559 = vector.broadcast %xor3A_558 : i32 to vector<16xi32>
        %xor3A_560 = arith.xori %iota3A_557, %xor3A_559 : vector<16xi32>
        %broadcast_in_dim3A_561 = vector.shape_cast %xor3A_560 : vector<16xi32> to vector<16x1xi32>
        %gather3A_562 = vector.shape_cast %broadcast_in_dim3A_561 : vector<16x1xi32> to vector<16xi32>
        %gather3A_563 = tpu.dynamic_gather %max3A_556[%gather3A_562] in [0] : vector<16xf32>, vector<16xi32> -> vector<16xf32>
        %max3A_564 = arith.maximumf %max3A_556, %gather3A_563 : vector<16xf32>
        %xor3A_565 = arith.constant 4 : i32
        %xor3A_566 = vector.broadcast %xor3A_565 : i32 to vector<16xi32>
        %xor3A_567 = arith.xori %iota3A_557, %xor3A_566 : vector<16xi32>
        %broadcast_in_dim3A_568 = vector.shape_cast %xor3A_567 : vector<16xi32> to vector<16x1xi32>
        %gather3A_569 = vector.shape_cast %broadcast_in_dim3A_568 : vector<16x1xi32> to vector<16xi32>
        %gather3A_570 = tpu.dynamic_gather %max3A_564[%gather3A_569] in [0] : vector<16xf32>, vector<16xi32> -> vector<16xf32>
        %max3A_571 = arith.maximumf %max3A_564, %gather3A_570 : vector<16xf32>
        %xor3A_572 = arith.constant 2 : i32
        %xor3A_573 = vector.broadcast %xor3A_572 : i32 to vector<16xi32>
        %xor3A_574 = arith.xori %iota3A_557, %xor3A_573 : vector<16xi32>
        %broadcast_in_dim3A_575 = vector.shape_cast %xor3A_574 : vector<16xi32> to vector<16x1xi32>
        %gather3A_576 = vector.shape_cast %broadcast_in_dim3A_575 : vector<16x1xi32> to vector<16xi32>
        %gather3A_577 = tpu.dynamic_gather %max3A_571[%gather3A_576] in [0] : vector<16xf32>, vector<16xi32> -> vector<16xf32>
        %max3A_578 = arith.maximumf %max3A_571, %gather3A_577 : vector<16xf32>
        %xor3A_579 = arith.constant 1 : i32
        %xor3A_580 = vector.broadcast %xor3A_579 : i32 to vector<16xi32>
        %xor3A_581 = arith.xori %iota3A_557, %xor3A_580 : vector<16xi32>
        %broadcast_in_dim3A_582 = vector.shape_cast %xor3A_581 : vector<16xi32> to vector<16x1xi32>
        %gather3A_583 = vector.shape_cast %broadcast_in_dim3A_582 : vector<16x1xi32> to vector<16xi32>
        %gather3A_584 = tpu.dynamic_gather %max3A_578[%gather3A_583] in [0] : vector<16xf32>, vector<16xi32> -> vector<16xf32>
        %max3A_585 = arith.maximumf %max3A_578, %gather3A_584 : vector<16xf32>
        %eq3A_586 = arith.cmpf oeq, %get3A_538, %max3A_585 : vector<16xf32>
        %jit3A_587 = arith.constant 0xFF800000 : f32
        %broadcast_in_dim3A_588 = vector.broadcast %jit3A_587 : f32 to vector<16xf32>
        %select_n3A_589 = arith.select %eq3A_586, %broadcast_in_dim3A_588, %get3A_538 : vector<16xi1>, vector<16xf32>
        %eq3A_590 = arith.cmpf oeq, %get3A_543, %max3A_585 : vector<16xf32>
        %jit3A_591 = arith.constant 0xFF800000 : f32
        %broadcast_in_dim3A_592 = vector.broadcast %jit3A_591 : f32 to vector<16xf32>
        %select_n3A_593 = arith.select %eq3A_590, %broadcast_in_dim3A_592, %get3A_543 : vector<16xi1>, vector<16xf32>
        %eq3A_594 = arith.cmpf oeq, %get3A_548, %max3A_585 : vector<16xf32>
        %jit3A_595 = arith.constant 0xFF800000 : f32
        %broadcast_in_dim3A_596 = vector.broadcast %jit3A_595 : f32 to vector<16xf32>
        %select_n3A_597 = arith.select %eq3A_594, %broadcast_in_dim3A_596, %get3A_548 : vector<16xi1>, vector<16xf32>
        %eq3A_598 = arith.cmpf oeq, %get3A_553, %max3A_585 : vector<16xf32>
        %jit3A_599 = arith.constant 0xFF800000 : f32
        %broadcast_in_dim3A_600 = vector.broadcast %jit3A_599 : f32 to vector<16xf32>
        %select_n3A_601 = arith.select %eq3A_598, %broadcast_in_dim3A_600, %get3A_553 : vector<16xi1>, vector<16xf32>
        %broadcast_in_dim3A_602 = arith.constant 1.000000e+00 : f32
        %broadcast_in_dim3A_603 = vector.broadcast %broadcast_in_dim3A_602 : f32 to vector<16xf32>
        %max3A_604 = arith.maximumf %select_n3A_589, %select_n3A_593 : vector<16xf32>
        %max3A_605 = arith.maximumf %select_n3A_597, %select_n3A_601 : vector<16xf32>
        %max3A_606 = arith.maximumf %max3A_604, %max3A_605 : vector<16xf32>
        %iota3A_607 = tpu.iota {dimensions = array<i32: 0>} : vector<16xi32>
        %xor3A_608 = arith.constant 8 : i32
        %xor3A_609 = vector.broadcast %xor3A_608 : i32 to vector<16xi32>
        %xor3A_610 = arith.xori %iota3A_607, %xor3A_609 : vector<16xi32>
        %broadcast_in_dim3A_611 = vector.shape_cast %xor3A_610 : vector<16xi32> to vector<16x1xi32>
        %gather3A_612 = vector.shape_cast %broadcast_in_dim3A_611 : vector<16x1xi32> to vector<16xi32>
        %gather3A_613 = tpu.dynamic_gather %max3A_606[%gather3A_612] in [0] : vector<16xf32>, vector<16xi32> -> vector<16xf32>
        %max3A_614 = arith.maximumf %max3A_606, %gather3A_613 : vector<16xf32>
        %xor3A_615 = arith.constant 4 : i32
        %xor3A_616 = vector.broadcast %xor3A_615 : i32 to vector<16xi32>
        %xor3A_617 = arith.xori %iota3A_607, %xor3A_616 : vector<16xi32>
        %broadcast_in_dim3A_618 = vector.shape_cast %xor3A_617 : vector<16xi32> to vector<16x1xi32>
        %gather3A_619 = vector.shape_cast %broadcast_in_dim3A_618 : vector<16x1xi32> to vector<16xi32>
        %gather3A_620 = tpu.dynamic_gather %max3A_614[%gather3A_619] in [0] : vector<16xf32>, vector<16xi32> -> vector<16xf32>
        %max3A_621 = arith.maximumf %max3A_614, %gather3A_620 : vector<16xf32>
        %xor3A_622 = arith.constant 2 : i32
        %xor3A_623 = vector.broadcast %xor3A_622 : i32 to vector<16xi32>
        %xor3A_624 = arith.xori %iota3A_607, %xor3A_623 : vector<16xi32>
        %broadcast_in_dim3A_625 = vector.shape_cast %xor3A_624 : vector<16xi32> to vector<16x1xi32>
        %gather3A_626 = vector.shape_cast %broadcast_in_dim3A_625 : vector<16x1xi32> to vector<16xi32>
        %gather3A_627 = tpu.dynamic_gather %max3A_621[%gather3A_626] in [0] : vector<16xf32>, vector<16xi32> -> vector<16xf32>
        %max3A_628 = arith.maximumf %max3A_621, %gather3A_627 : vector<16xf32>
        %xor3A_629 = arith.constant 1 : i32
        %xor3A_630 = vector.broadcast %xor3A_629 : i32 to vector<16xi32>
        %xor3A_631 = arith.xori %iota3A_607, %xor3A_630 : vector<16xi32>
        %broadcast_in_dim3A_632 = vector.shape_cast %xor3A_631 : vector<16xi32> to vector<16x1xi32>
        %gather3A_633 = vector.shape_cast %broadcast_in_dim3A_632 : vector<16x1xi32> to vector<16xi32>
        %gather3A_634 = tpu.dynamic_gather %max3A_628[%gather3A_633] in [0] : vector<16xf32>, vector<16xi32> -> vector<16xf32>
        %max3A_635 = arith.maximumf %max3A_628, %gather3A_634 : vector<16xf32>
        %eq3A_636 = arith.cmpf oeq, %select_n3A_589, %max3A_635 : vector<16xf32>
        %jit3A_637 = arith.constant 0xFF800000 : f32
        %broadcast_in_dim3A_638 = vector.broadcast %jit3A_637 : f32 to vector<16xf32>
        %select_n3A_639 = arith.select %eq3A_636, %broadcast_in_dim3A_638, %select_n3A_589 : vector<16xi1>, vector<16xf32>
        %eq3A_640 = arith.cmpf oeq, %select_n3A_593, %max3A_635 : vector<16xf32>
        %jit3A_641 = arith.constant 0xFF800000 : f32
        %broadcast_in_dim3A_642 = vector.broadcast %jit3A_641 : f32 to vector<16xf32>
        %select_n3A_643 = arith.select %eq3A_640, %broadcast_in_dim3A_642, %select_n3A_593 : vector<16xi1>, vector<16xf32>
        %eq3A_644 = arith.cmpf oeq, %select_n3A_597, %max3A_635 : vector<16xf32>
        %jit3A_645 = arith.constant 0xFF800000 : f32
        %broadcast_in_dim3A_646 = vector.broadcast %jit3A_645 : f32 to vector<16xf32>
        %select_n3A_647 = arith.select %eq3A_644, %broadcast_in_dim3A_646, %select_n3A_597 : vector<16xi1>, vector<16xf32>
        %eq3A_648 = arith.cmpf oeq, %select_n3A_601, %max3A_635 : vector<16xf32>
        %jit3A_649 = arith.constant 0xFF800000 : f32
        %broadcast_in_dim3A_650 = vector.broadcast %jit3A_649 : f32 to vector<16xf32>
        %select_n3A_651 = arith.select %eq3A_648, %broadcast_in_dim3A_650, %select_n3A_601 : vector<16xi1>, vector<16xf32>
        %sub3A_652 = arith.subf %max3A_635, %max3A_585 : vector<16xf32>
        %exp3A_653 = math.exp %sub3A_652 : vector<16xf32>
        %add3A_654 = arith.addf %broadcast_in_dim3A_603, %exp3A_653 : vector<16xf32>
        %max3A_655 = arith.maximumf %select_n3A_639, %select_n3A_643 : vector<16xf32>
        %max3A_656 = arith.maximumf %select_n3A_647, %select_n3A_651 : vector<16xf32>
        %max3A_657 = arith.maximumf %max3A_655, %max3A_656 : vector<16xf32>
        %iota3A_658 = tpu.iota {dimensions = array<i32: 0>} : vector<16xi32>
        %xor3A_659 = arith.constant 8 : i32
        %xor3A_660 = vector.broadcast %xor3A_659 : i32 to vector<16xi32>
        %xor3A_661 = arith.xori %iota3A_658, %xor3A_660 : vector<16xi32>
        %broadcast_in_dim3A_662 = vector.shape_cast %xor3A_661 : vector<16xi32> to vector<16x1xi32>
        %gather3A_663 = vector.shape_cast %broadcast_in_dim3A_662 : vector<16x1xi32> to vector<16xi32>
        %gather3A_664 = tpu.dynamic_gather %max3A_657[%gather3A_663] in [0] : vector<16xf32>, vector<16xi32> -> vector<16xf32>
        %max3A_665 = arith.maximumf %max3A_657, %gather3A_664 : vector<16xf32>
        %xor3A_666 = arith.constant 4 : i32
        %xor3A_667 = vector.broadcast %xor3A_666 : i32 to vector<16xi32>
        %xor3A_668 = arith.xori %iota3A_658, %xor3A_667 : vector<16xi32>
        %broadcast_in_dim3A_669 = vector.shape_cast %xor3A_668 : vector<16xi32> to vector<16x1xi32>
        %gather3A_670 = vector.shape_cast %broadcast_in_dim3A_669 : vector<16x1xi32> to vector<16xi32>
        %gather3A_671 = tpu.dynamic_gather %max3A_665[%gather3A_670] in [0] : vector<16xf32>, vector<16xi32> -> vector<16xf32>
        %max3A_672 = arith.maximumf %max3A_665, %gather3A_671 : vector<16xf32>
        %xor3A_673 = arith.constant 2 : i32
        %xor3A_674 = vector.broadcast %xor3A_673 : i32 to vector<16xi32>
        %xor3A_675 = arith.xori %iota3A_658, %xor3A_674 : vector<16xi32>
        %broadcast_in_dim3A_676 = vector.shape_cast %xor3A_675 : vector<16xi32> to vector<16x1xi32>
        %gather3A_677 = vector.shape_cast %broadcast_in_dim3A_676 : vector<16x1xi32> to vector<16xi32>
        %gather3A_678 = tpu.dynamic_gather %max3A_672[%gather3A_677] in [0] : vector<16xf32>, vector<16xi32> -> vector<16xf32>
        %max3A_679 = arith.maximumf %max3A_672, %gather3A_678 : vector<16xf32>
        %xor3A_680 = arith.constant 1 : i32
        %xor3A_681 = vector.broadcast %xor3A_680 : i32 to vector<16xi32>
        %xor3A_682 = arith.xori %iota3A_658, %xor3A_681 : vector<16xi32>
        %broadcast_in_dim3A_683 = vector.shape_cast %xor3A_682 : vector<16xi32> to vector<16x1xi32>
        %gather3A_684 = vector.shape_cast %broadcast_in_dim3A_683 : vector<16x1xi32> to vector<16xi32>
        %gather3A_685 = tpu.dynamic_gather %max3A_679[%gather3A_684] in [0] : vector<16xf32>, vector<16xi32> -> vector<16xf32>
        %max3A_686 = arith.maximumf %max3A_679, %gather3A_685 : vector<16xf32>
        %eq3A_687 = arith.cmpf oeq, %select_n3A_639, %max3A_686 : vector<16xf32>
        %jit3A_688 = arith.constant 0xFF800000 : f32
        %broadcast_in_dim3A_689 = vector.broadcast %jit3A_688 : f32 to vector<16xf32>
        %select_n3A_690 = arith.select %eq3A_687, %broadcast_in_dim3A_689, %select_n3A_639 : vector<16xi1>, vector<16xf32>
        %eq3A_691 = arith.cmpf oeq, %select_n3A_643, %max3A_686 : vector<16xf32>
        %jit3A_692 = arith.constant 0xFF800000 : f32
        %broadcast_in_dim3A_693 = vector.broadcast %jit3A_692 : f32 to vector<16xf32>
        %select_n3A_694 = arith.select %eq3A_691, %broadcast_in_dim3A_693, %select_n3A_643 : vector<16xi1>, vector<16xf32>
        %eq3A_695 = arith.cmpf oeq, %select_n3A_647, %max3A_686 : vector<16xf32>
        %jit3A_696 = arith.constant 0xFF800000 : f32
        %broadcast_in_dim3A_697 = vector.broadcast %jit3A_696 : f32 to vector<16xf32>
        %select_n3A_698 = arith.select %eq3A_695, %broadcast_in_dim3A_697, %select_n3A_647 : vector<16xi1>, vector<16xf32>
        %eq3A_699 = arith.cmpf oeq, %select_n3A_651, %max3A_686 : vector<16xf32>
        %jit3A_700 = arith.constant 0xFF800000 : f32
        %broadcast_in_dim3A_701 = vector.broadcast %jit3A_700 : f32 to vector<16xf32>
        %select_n3A_702 = arith.select %eq3A_699, %broadcast_in_dim3A_701, %select_n3A_651 : vector<16xi1>, vector<16xf32>
        %sub3A_703 = arith.subf %max3A_686, %max3A_585 : vector<16xf32>
        %exp3A_704 = math.exp %sub3A_703 : vector<16xf32>
        %add3A_705 = arith.addf %add3A_654, %exp3A_704 : vector<16xf32>
        %max3A_706 = arith.maximumf %select_n3A_690, %select_n3A_694 : vector<16xf32>
        %max3A_707 = arith.maximumf %select_n3A_698, %select_n3A_702 : vector<16xf32>
        %max3A_708 = arith.maximumf %max3A_706, %max3A_707 : vector<16xf32>
        %iota3A_709 = tpu.iota {dimensions = array<i32: 0>} : vector<16xi32>
        %xor3A_710 = arith.constant 8 : i32
        %xor3A_711 = vector.broadcast %xor3A_710 : i32 to vector<16xi32>
        %xor3A_712 = arith.xori %iota3A_709, %xor3A_711 : vector<16xi32>
        %broadcast_in_dim3A_713 = vector.shape_cast %xor3A_712 : vector<16xi32> to vector<16x1xi32>
        %gather3A_714 = vector.shape_cast %broadcast_in_dim3A_713 : vector<16x1xi32> to vector<16xi32>
        %gather3A_715 = tpu.dynamic_gather %max3A_708[%gather3A_714] in [0] : vector<16xf32>, vector<16xi32> -> vector<16xf32>
        %max3A_716 = arith.maximumf %max3A_708, %gather3A_715 : vector<16xf32>
        %xor3A_717 = arith.constant 4 : i32
        %xor3A_718 = vector.broadcast %xor3A_717 : i32 to vector<16xi32>
        %xor3A_719 = arith.xori %iota3A_709, %xor3A_718 : vector<16xi32>
        %broadcast_in_dim3A_720 = vector.shape_cast %xor3A_719 : vector<16xi32> to vector<16x1xi32>
        %gather3A_721 = vector.shape_cast %broadcast_in_dim3A_720 : vector<16x1xi32> to vector<16xi32>
        %gather3A_722 = tpu.dynamic_gather %max3A_716[%gather3A_721] in [0] : vector<16xf32>, vector<16xi32> -> vector<16xf32>
        %max3A_723 = arith.maximumf %max3A_716, %gather3A_722 : vector<16xf32>
        %xor3A_724 = arith.constant 2 : i32
        %xor3A_725 = vector.broadcast %xor3A_724 : i32 to vector<16xi32>
        %xor3A_726 = arith.xori %iota3A_709, %xor3A_725 : vector<16xi32>
        %broadcast_in_dim3A_727 = vector.shape_cast %xor3A_726 : vector<16xi32> to vector<16x1xi32>
        %gather3A_728 = vector.shape_cast %broadcast_in_dim3A_727 : vector<16x1xi32> to vector<16xi32>
        %gather3A_729 = tpu.dynamic_gather %max3A_723[%gather3A_728] in [0] : vector<16xf32>, vector<16xi32> -> vector<16xf32>
        %max3A_730 = arith.maximumf %max3A_723, %gather3A_729 : vector<16xf32>
        %xor3A_731 = arith.constant 1 : i32
        %xor3A_732 = vector.broadcast %xor3A_731 : i32 to vector<16xi32>
        %xor3A_733 = arith.xori %iota3A_709, %xor3A_732 : vector<16xi32>
        %broadcast_in_dim3A_734 = vector.shape_cast %xor3A_733 : vector<16xi32> to vector<16x1xi32>
        %gather3A_735 = vector.shape_cast %broadcast_in_dim3A_734 : vector<16x1xi32> to vector<16xi32>
        %gather3A_736 = tpu.dynamic_gather %max3A_730[%gather3A_735] in [0] : vector<16xf32>, vector<16xi32> -> vector<16xf32>
        %max3A_737 = arith.maximumf %max3A_730, %gather3A_736 : vector<16xf32>
        %eq3A_738 = arith.cmpf oeq, %select_n3A_690, %max3A_737 : vector<16xf32>
        %jit3A_739 = arith.constant 0xFF800000 : f32
        %broadcast_in_dim3A_740 = vector.broadcast %jit3A_739 : f32 to vector<16xf32>
        %select_n3A_741 = arith.select %eq3A_738, %broadcast_in_dim3A_740, %select_n3A_690 : vector<16xi1>, vector<16xf32>
        %eq3A_742 = arith.cmpf oeq, %select_n3A_694, %max3A_737 : vector<16xf32>
        %jit3A_743 = arith.constant 0xFF800000 : f32
        %broadcast_in_dim3A_744 = vector.broadcast %jit3A_743 : f32 to vector<16xf32>
        %select_n3A_745 = arith.select %eq3A_742, %broadcast_in_dim3A_744, %select_n3A_694 : vector<16xi1>, vector<16xf32>
        %eq3A_746 = arith.cmpf oeq, %select_n3A_698, %max3A_737 : vector<16xf32>
        %jit3A_747 = arith.constant 0xFF800000 : f32
        %broadcast_in_dim3A_748 = vector.broadcast %jit3A_747 : f32 to vector<16xf32>
        %select_n3A_749 = arith.select %eq3A_746, %broadcast_in_dim3A_748, %select_n3A_698 : vector<16xi1>, vector<16xf32>
        %eq3A_750 = arith.cmpf oeq, %select_n3A_702, %max3A_737 : vector<16xf32>
        %jit3A_751 = arith.constant 0xFF800000 : f32
        %broadcast_in_dim3A_752 = vector.broadcast %jit3A_751 : f32 to vector<16xf32>
        %select_n3A_753 = arith.select %eq3A_750, %broadcast_in_dim3A_752, %select_n3A_702 : vector<16xi1>, vector<16xf32>
        %sub3A_754 = arith.subf %max3A_737, %max3A_585 : vector<16xf32>
        %exp3A_755 = math.exp %sub3A_754 : vector<16xf32>
        %add3A_756 = arith.addf %add3A_705, %exp3A_755 : vector<16xf32>
        %max3A_757 = arith.maximumf %select_n3A_741, %select_n3A_745 : vector<16xf32>
        %max3A_758 = arith.maximumf %select_n3A_749, %select_n3A_753 : vector<16xf32>
        %max3A_759 = arith.maximumf %max3A_757, %max3A_758 : vector<16xf32>
        %iota3A_760 = tpu.iota {dimensions = array<i32: 0>} : vector<16xi32>
        %xor3A_761 = arith.constant 8 : i32
        %xor3A_762 = vector.broadcast %xor3A_761 : i32 to vector<16xi32>
        %xor3A_763 = arith.xori %iota3A_760, %xor3A_762 : vector<16xi32>
        %broadcast_in_dim3A_764 = vector.shape_cast %xor3A_763 : vector<16xi32> to vector<16x1xi32>
        %gather3A_765 = vector.shape_cast %broadcast_in_dim3A_764 : vector<16x1xi32> to vector<16xi32>
        %gather3A_766 = tpu.dynamic_gather %max3A_759[%gather3A_765] in [0] : vector<16xf32>, vector<16xi32> -> vector<16xf32>
        %max3A_767 = arith.maximumf %max3A_759, %gather3A_766 : vector<16xf32>
        %xor3A_768 = arith.constant 4 : i32
        %xor3A_769 = vector.broadcast %xor3A_768 : i32 to vector<16xi32>
        %xor3A_770 = arith.xori %iota3A_760, %xor3A_769 : vector<16xi32>
        %broadcast_in_dim3A_771 = vector.shape_cast %xor3A_770 : vector<16xi32> to vector<16x1xi32>
        %gather3A_772 = vector.shape_cast %broadcast_in_dim3A_771 : vector<16x1xi32> to vector<16xi32>
        %gather3A_773 = tpu.dynamic_gather %max3A_767[%gather3A_772] in [0] : vector<16xf32>, vector<16xi32> -> vector<16xf32>
        %max3A_774 = arith.maximumf %max3A_767, %gather3A_773 : vector<16xf32>
        %xor3A_775 = arith.constant 2 : i32
        %xor3A_776 = vector.broadcast %xor3A_775 : i32 to vector<16xi32>
        %xor3A_777 = arith.xori %iota3A_760, %xor3A_776 : vector<16xi32>
        %broadcast_in_dim3A_778 = vector.shape_cast %xor3A_777 : vector<16xi32> to vector<16x1xi32>
        %gather3A_779 = vector.shape_cast %broadcast_in_dim3A_778 : vector<16x1xi32> to vector<16xi32>
        %gather3A_780 = tpu.dynamic_gather %max3A_774[%gather3A_779] in [0] : vector<16xf32>, vector<16xi32> -> vector<16xf32>
        %max3A_781 = arith.maximumf %max3A_774, %gather3A_780 : vector<16xf32>
        %xor3A_782 = arith.constant 1 : i32
        %xor3A_783 = vector.broadcast %xor3A_782 : i32 to vector<16xi32>
        %xor3A_784 = arith.xori %iota3A_760, %xor3A_783 : vector<16xi32>
        %broadcast_in_dim3A_785 = vector.shape_cast %xor3A_784 : vector<16xi32> to vector<16x1xi32>
        %gather3A_786 = vector.shape_cast %broadcast_in_dim3A_785 : vector<16x1xi32> to vector<16xi32>
        %gather3A_787 = tpu.dynamic_gather %max3A_781[%gather3A_786] in [0] : vector<16xf32>, vector<16xi32> -> vector<16xf32>
        %max3A_788 = arith.maximumf %max3A_781, %gather3A_787 : vector<16xf32>
        %eq3A_789 = arith.cmpf oeq, %select_n3A_741, %max3A_788 : vector<16xf32>
        %jit3A_790 = arith.constant 0xFF800000 : f32
        %broadcast_in_dim3A_791 = vector.broadcast %jit3A_790 : f32 to vector<16xf32>
        %select_n3A_792 = arith.select %eq3A_789, %broadcast_in_dim3A_791, %select_n3A_741 : vector<16xi1>, vector<16xf32>
        %eq3A_793 = arith.cmpf oeq, %select_n3A_745, %max3A_788 : vector<16xf32>
        %jit3A_794 = arith.constant 0xFF800000 : f32
        %broadcast_in_dim3A_795 = vector.broadcast %jit3A_794 : f32 to vector<16xf32>
        %select_n3A_796 = arith.select %eq3A_793, %broadcast_in_dim3A_795, %select_n3A_745 : vector<16xi1>, vector<16xf32>
        %eq3A_797 = arith.cmpf oeq, %select_n3A_749, %max3A_788 : vector<16xf32>
        %jit3A_798 = arith.constant 0xFF800000 : f32
        %broadcast_in_dim3A_799 = vector.broadcast %jit3A_798 : f32 to vector<16xf32>
        %select_n3A_800 = arith.select %eq3A_797, %broadcast_in_dim3A_799, %select_n3A_749 : vector<16xi1>, vector<16xf32>
        %eq3A_801 = arith.cmpf oeq, %select_n3A_753, %max3A_788 : vector<16xf32>
        %jit3A_802 = arith.constant 0xFF800000 : f32
        %broadcast_in_dim3A_803 = vector.broadcast %jit3A_802 : f32 to vector<16xf32>
        %select_n3A_804 = arith.select %eq3A_801, %broadcast_in_dim3A_803, %select_n3A_753 : vector<16xi1>, vector<16xf32>
        %sub3A_805 = arith.subf %max3A_788, %max3A_585 : vector<16xf32>
        %exp3A_806 = math.exp %sub3A_805 : vector<16xf32>
        %add3A_807 = arith.addf %add3A_756, %exp3A_806 : vector<16xf32>
        %max3A_808 = arith.maximumf %select_n3A_792, %select_n3A_796 : vector<16xf32>
        %max3A_809 = arith.maximumf %select_n3A_800, %select_n3A_804 : vector<16xf32>
        %max3A_810 = arith.maximumf %max3A_808, %max3A_809 : vector<16xf32>
        %iota3A_811 = tpu.iota {dimensions = array<i32: 0>} : vector<16xi32>
        %xor3A_812 = arith.constant 8 : i32
        %xor3A_813 = vector.broadcast %xor3A_812 : i32 to vector<16xi32>
        %xor3A_814 = arith.xori %iota3A_811, %xor3A_813 : vector<16xi32>
        %broadcast_in_dim3A_815 = vector.shape_cast %xor3A_814 : vector<16xi32> to vector<16x1xi32>
        %gather3A_816 = vector.shape_cast %broadcast_in_dim3A_815 : vector<16x1xi32> to vector<16xi32>
        %gather3A_817 = tpu.dynamic_gather %max3A_810[%gather3A_816] in [0] : vector<16xf32>, vector<16xi32> -> vector<16xf32>
        %max3A_818 = arith.maximumf %max3A_810, %gather3A_817 : vector<16xf32>
        %xor3A_819 = arith.constant 4 : i32
        %xor3A_820 = vector.broadcast %xor3A_819 : i32 to vector<16xi32>
        %xor3A_821 = arith.xori %iota3A_811, %xor3A_820 : vector<16xi32>
        %broadcast_in_dim3A_822 = vector.shape_cast %xor3A_821 : vector<16xi32> to vector<16x1xi32>
        %gather3A_823 = vector.shape_cast %broadcast_in_dim3A_822 : vector<16x1xi32> to vector<16xi32>
        %gather3A_824 = tpu.dynamic_gather %max3A_818[%gather3A_823] in [0] : vector<16xf32>, vector<16xi32> -> vector<16xf32>
        %max3A_825 = arith.maximumf %max3A_818, %gather3A_824 : vector<16xf32>
        %xor3A_826 = arith.constant 2 : i32
        %xor3A_827 = vector.broadcast %xor3A_826 : i32 to vector<16xi32>
        %xor3A_828 = arith.xori %iota3A_811, %xor3A_827 : vector<16xi32>
        %broadcast_in_dim3A_829 = vector.shape_cast %xor3A_828 : vector<16xi32> to vector<16x1xi32>
        %gather3A_830 = vector.shape_cast %broadcast_in_dim3A_829 : vector<16x1xi32> to vector<16xi32>
        %gather3A_831 = tpu.dynamic_gather %max3A_825[%gather3A_830] in [0] : vector<16xf32>, vector<16xi32> -> vector<16xf32>
        %max3A_832 = arith.maximumf %max3A_825, %gather3A_831 : vector<16xf32>
        %xor3A_833 = arith.constant 1 : i32
        %xor3A_834 = vector.broadcast %xor3A_833 : i32 to vector<16xi32>
        %xor3A_835 = arith.xori %iota3A_811, %xor3A_834 : vector<16xi32>
        %broadcast_in_dim3A_836 = vector.shape_cast %xor3A_835 : vector<16xi32> to vector<16x1xi32>
        %gather3A_837 = vector.shape_cast %broadcast_in_dim3A_836 : vector<16x1xi32> to vector<16xi32>
        %gather3A_838 = tpu.dynamic_gather %max3A_832[%gather3A_837] in [0] : vector<16xf32>, vector<16xi32> -> vector<16xf32>
        %max3A_839 = arith.maximumf %max3A_832, %gather3A_838 : vector<16xf32>
        %eq3A_840 = arith.cmpf oeq, %select_n3A_792, %max3A_839 : vector<16xf32>
        %jit3A_841 = arith.constant 0xFF800000 : f32
        %broadcast_in_dim3A_842 = vector.broadcast %jit3A_841 : f32 to vector<16xf32>
        %select_n3A_843 = arith.select %eq3A_840, %broadcast_in_dim3A_842, %select_n3A_792 : vector<16xi1>, vector<16xf32>
        %eq3A_844 = arith.cmpf oeq, %select_n3A_796, %max3A_839 : vector<16xf32>
        %jit3A_845 = arith.constant 0xFF800000 : f32
        %broadcast_in_dim3A_846 = vector.broadcast %jit3A_845 : f32 to vector<16xf32>
        %select_n3A_847 = arith.select %eq3A_844, %broadcast_in_dim3A_846, %select_n3A_796 : vector<16xi1>, vector<16xf32>
        %eq3A_848 = arith.cmpf oeq, %select_n3A_800, %max3A_839 : vector<16xf32>
        %jit3A_849 = arith.constant 0xFF800000 : f32
        %broadcast_in_dim3A_850 = vector.broadcast %jit3A_849 : f32 to vector<16xf32>
        %select_n3A_851 = arith.select %eq3A_848, %broadcast_in_dim3A_850, %select_n3A_800 : vector<16xi1>, vector<16xf32>
        %eq3A_852 = arith.cmpf oeq, %select_n3A_804, %max3A_839 : vector<16xf32>
        %jit3A_853 = arith.constant 0xFF800000 : f32
        %broadcast_in_dim3A_854 = vector.broadcast %jit3A_853 : f32 to vector<16xf32>
        %select_n3A_855 = arith.select %eq3A_852, %broadcast_in_dim3A_854, %select_n3A_804 : vector<16xi1>, vector<16xf32>
        %sub3A_856 = arith.subf %max3A_839, %max3A_585 : vector<16xf32>
        %exp3A_857 = math.exp %sub3A_856 : vector<16xf32>
        %add3A_858 = arith.addf %add3A_807, %exp3A_857 : vector<16xf32>
        %max3A_859 = arith.maximumf %select_n3A_843, %select_n3A_847 : vector<16xf32>
        %max3A_860 = arith.maximumf %select_n3A_851, %select_n3A_855 : vector<16xf32>
        %max3A_861 = arith.maximumf %max3A_859, %max3A_860 : vector<16xf32>
        %iota3A_862 = tpu.iota {dimensions = array<i32: 0>} : vector<16xi32>
        %xor3A_863 = arith.constant 8 : i32
        %xor3A_864 = vector.broadcast %xor3A_863 : i32 to vector<16xi32>
        %xor3A_865 = arith.xori %iota3A_862, %xor3A_864 : vector<16xi32>
        %broadcast_in_dim3A_866 = vector.shape_cast %xor3A_865 : vector<16xi32> to vector<16x1xi32>
        %gather3A_867 = vector.shape_cast %broadcast_in_dim3A_866 : vector<16x1xi32> to vector<16xi32>
        %gather3A_868 = tpu.dynamic_gather %max3A_861[%gather3A_867] in [0] : vector<16xf32>, vector<16xi32> -> vector<16xf32>
        %max3A_869 = arith.maximumf %max3A_861, %gather3A_868 : vector<16xf32>
        %xor3A_870 = arith.constant 4 : i32
        %xor3A_871 = vector.broadcast %xor3A_870 : i32 to vector<16xi32>
        %xor3A_872 = arith.xori %iota3A_862, %xor3A_871 : vector<16xi32>
        %broadcast_in_dim3A_873 = vector.shape_cast %xor3A_872 : vector<16xi32> to vector<16x1xi32>
        %gather3A_874 = vector.shape_cast %broadcast_in_dim3A_873 : vector<16x1xi32> to vector<16xi32>
        %gather3A_875 = tpu.dynamic_gather %max3A_869[%gather3A_874] in [0] : vector<16xf32>, vector<16xi32> -> vector<16xf32>
        %max3A_876 = arith.maximumf %max3A_869, %gather3A_875 : vector<16xf32>
        %xor3A_877 = arith.constant 2 : i32
        %xor3A_878 = vector.broadcast %xor3A_877 : i32 to vector<16xi32>
        %xor3A_879 = arith.xori %iota3A_862, %xor3A_878 : vector<16xi32>
        %broadcast_in_dim3A_880 = vector.shape_cast %xor3A_879 : vector<16xi32> to vector<16x1xi32>
        %gather3A_881 = vector.shape_cast %broadcast_in_dim3A_880 : vector<16x1xi32> to vector<16xi32>
        %gather3A_882 = tpu.dynamic_gather %max3A_876[%gather3A_881] in [0] : vector<16xf32>, vector<16xi32> -> vector<16xf32>
        %max3A_883 = arith.maximumf %max3A_876, %gather3A_882 : vector<16xf32>
        %xor3A_884 = arith.constant 1 : i32
        %xor3A_885 = vector.broadcast %xor3A_884 : i32 to vector<16xi32>
        %xor3A_886 = arith.xori %iota3A_862, %xor3A_885 : vector<16xi32>
        %broadcast_in_dim3A_887 = vector.shape_cast %xor3A_886 : vector<16xi32> to vector<16x1xi32>
        %gather3A_888 = vector.shape_cast %broadcast_in_dim3A_887 : vector<16x1xi32> to vector<16xi32>
        %gather3A_889 = tpu.dynamic_gather %max3A_883[%gather3A_888] in [0] : vector<16xf32>, vector<16xi32> -> vector<16xf32>
        %max3A_890 = arith.maximumf %max3A_883, %gather3A_889 : vector<16xf32>
        %eq3A_891 = arith.cmpf oeq, %select_n3A_843, %max3A_890 : vector<16xf32>
        %jit3A_892 = arith.constant 0xFF800000 : f32
        %broadcast_in_dim3A_893 = vector.broadcast %jit3A_892 : f32 to vector<16xf32>
        %select_n3A_894 = arith.select %eq3A_891, %broadcast_in_dim3A_893, %select_n3A_843 : vector<16xi1>, vector<16xf32>
        %eq3A_895 = arith.cmpf oeq, %select_n3A_847, %max3A_890 : vector<16xf32>
        %jit3A_896 = arith.constant 0xFF800000 : f32
        %broadcast_in_dim3A_897 = vector.broadcast %jit3A_896 : f32 to vector<16xf32>
        %select_n3A_898 = arith.select %eq3A_895, %broadcast_in_dim3A_897, %select_n3A_847 : vector<16xi1>, vector<16xf32>
        %eq3A_899 = arith.cmpf oeq, %select_n3A_851, %max3A_890 : vector<16xf32>
        %jit3A_900 = arith.constant 0xFF800000 : f32
        %broadcast_in_dim3A_901 = vector.broadcast %jit3A_900 : f32 to vector<16xf32>
        %select_n3A_902 = arith.select %eq3A_899, %broadcast_in_dim3A_901, %select_n3A_851 : vector<16xi1>, vector<16xf32>
        %eq3A_903 = arith.cmpf oeq, %select_n3A_855, %max3A_890 : vector<16xf32>
        %jit3A_904 = arith.constant 0xFF800000 : f32
        %broadcast_in_dim3A_905 = vector.broadcast %jit3A_904 : f32 to vector<16xf32>
        %select_n3A_906 = arith.select %eq3A_903, %broadcast_in_dim3A_905, %select_n3A_855 : vector<16xi1>, vector<16xf32>
        %sub3A_907 = arith.subf %max3A_890, %max3A_585 : vector<16xf32>
        %exp3A_908 = math.exp %sub3A_907 : vector<16xf32>
        %add3A_909 = arith.addf %add3A_858, %exp3A_908 : vector<16xf32>
        %max3A_910 = arith.maximumf %select_n3A_894, %select_n3A_898 : vector<16xf32>
        %max3A_911 = arith.maximumf %select_n3A_902, %select_n3A_906 : vector<16xf32>
        %max3A_912 = arith.maximumf %max3A_910, %max3A_911 : vector<16xf32>
        %iota3A_913 = tpu.iota {dimensions = array<i32: 0>} : vector<16xi32>
        %xor3A_914 = arith.constant 8 : i32
        %xor3A_915 = vector.broadcast %xor3A_914 : i32 to vector<16xi32>
        %xor3A_916 = arith.xori %iota3A_913, %xor3A_915 : vector<16xi32>
        %broadcast_in_dim3A_917 = vector.shape_cast %xor3A_916 : vector<16xi32> to vector<16x1xi32>
        %gather3A_918 = vector.shape_cast %broadcast_in_dim3A_917 : vector<16x1xi32> to vector<16xi32>
        %gather3A_919 = tpu.dynamic_gather %max3A_912[%gather3A_918] in [0] : vector<16xf32>, vector<16xi32> -> vector<16xf32>
        %max3A_920 = arith.maximumf %max3A_912, %gather3A_919 : vector<16xf32>
        %xor3A_921 = arith.constant 4 : i32
        %xor3A_922 = vector.broadcast %xor3A_921 : i32 to vector<16xi32>
        %xor3A_923 = arith.xori %iota3A_913, %xor3A_922 : vector<16xi32>
        %broadcast_in_dim3A_924 = vector.shape_cast %xor3A_923 : vector<16xi32> to vector<16x1xi32>
        %gather3A_925 = vector.shape_cast %broadcast_in_dim3A_924 : vector<16x1xi32> to vector<16xi32>
        %gather3A_926 = tpu.dynamic_gather %max3A_920[%gather3A_925] in [0] : vector<16xf32>, vector<16xi32> -> vector<16xf32>
        %max3A_927 = arith.maximumf %max3A_920, %gather3A_926 : vector<16xf32>
        %xor3A_928 = arith.constant 2 : i32
        %xor3A_929 = vector.broadcast %xor3A_928 : i32 to vector<16xi32>
        %xor3A_930 = arith.xori %iota3A_913, %xor3A_929 : vector<16xi32>
        %broadcast_in_dim3A_931 = vector.shape_cast %xor3A_930 : vector<16xi32> to vector<16x1xi32>
        %gather3A_932 = vector.shape_cast %broadcast_in_dim3A_931 : vector<16x1xi32> to vector<16xi32>
        %gather3A_933 = tpu.dynamic_gather %max3A_927[%gather3A_932] in [0] : vector<16xf32>, vector<16xi32> -> vector<16xf32>
        %max3A_934 = arith.maximumf %max3A_927, %gather3A_933 : vector<16xf32>
        %xor3A_935 = arith.constant 1 : i32
        %xor3A_936 = vector.broadcast %xor3A_935 : i32 to vector<16xi32>
        %xor3A_937 = arith.xori %iota3A_913, %xor3A_936 : vector<16xi32>
        %broadcast_in_dim3A_938 = vector.shape_cast %xor3A_937 : vector<16xi32> to vector<16x1xi32>
        %gather3A_939 = vector.shape_cast %broadcast_in_dim3A_938 : vector<16x1xi32> to vector<16xi32>
        %gather3A_940 = tpu.dynamic_gather %max3A_934[%gather3A_939] in [0] : vector<16xf32>, vector<16xi32> -> vector<16xf32>
        %max3A_941 = arith.maximumf %max3A_934, %gather3A_940 : vector<16xf32>
        %eq3A_942 = arith.cmpf oeq, %select_n3A_894, %max3A_941 : vector<16xf32>
        %jit3A_943 = arith.constant 0xFF800000 : f32
        %broadcast_in_dim3A_944 = vector.broadcast %jit3A_943 : f32 to vector<16xf32>
        %select_n3A_945 = arith.select %eq3A_942, %broadcast_in_dim3A_944, %select_n3A_894 : vector<16xi1>, vector<16xf32>
        %eq3A_946 = arith.cmpf oeq, %select_n3A_898, %max3A_941 : vector<16xf32>
        %jit3A_947 = arith.constant 0xFF800000 : f32
        %broadcast_in_dim3A_948 = vector.broadcast %jit3A_947 : f32 to vector<16xf32>
        %select_n3A_949 = arith.select %eq3A_946, %broadcast_in_dim3A_948, %select_n3A_898 : vector<16xi1>, vector<16xf32>
        %eq3A_950 = arith.cmpf oeq, %select_n3A_902, %max3A_941 : vector<16xf32>
        %jit3A_951 = arith.constant 0xFF800000 : f32
        %broadcast_in_dim3A_952 = vector.broadcast %jit3A_951 : f32 to vector<16xf32>
        %select_n3A_953 = arith.select %eq3A_950, %broadcast_in_dim3A_952, %select_n3A_902 : vector<16xi1>, vector<16xf32>
        %eq3A_954 = arith.cmpf oeq, %select_n3A_906, %max3A_941 : vector<16xf32>
        %jit3A_955 = arith.constant 0xFF800000 : f32
        %broadcast_in_dim3A_956 = vector.broadcast %jit3A_955 : f32 to vector<16xf32>
        %select_n3A_957 = arith.select %eq3A_954, %broadcast_in_dim3A_956, %select_n3A_906 : vector<16xi1>, vector<16xf32>
        %sub3A_958 = arith.subf %max3A_941, %max3A_585 : vector<16xf32>
        %exp3A_959 = math.exp %sub3A_958 : vector<16xf32>
        %add3A_960 = arith.addf %add3A_909, %exp3A_959 : vector<16xf32>
        %div3A_961 = arith.constant 1.000000e+00 : f32
        %div3A_962 = vector.broadcast %div3A_961 : f32 to vector<16xf32>
        %div3A_963 = arith.divf %div3A_962, %add3A_960 : vector<16xf32>
        %sub3A_964 = arith.subf %get3A_538, %max3A_585 : vector<16xf32>
        %exp3A_965 = math.exp %sub3A_964 : vector<16xf32>
        %mul3A_966 = arith.mulf %exp3A_965, %div3A_963 : vector<16xf32>
        %add3A_967 = arith.constant 0 : i32
        %add3A_968 = arith.addi %add3A_533, %add3A_967 : i32
        %swap3A_969 = arith.index_cast %add3A_968 : i32 to index
        %swap3A_970 = tpu.vector_load %arg6[%swap3A_969] {strides = array<i32>} : memref<8192xf32, #tpu.memory_space<vmem>>, vector<16xf32>,
        %swap3A_971 = vector.shape_cast %swap3A_970 : vector<16xf32> to vector<16xf32>
        %swap3A_972 = vector.shape_cast %mul3A_966 : vector<16xf32> to vector<16xf32>
        tpu.vector_store %arg6[%swap3A_969], %swap3A_972 {strides = array<i32>} : memref<8192xf32, #tpu.memory_space<vmem>>, vector<16xf32>,
        %eq3A_973 = arith.constant 0xFF800000 : f32
        %eq3A_974 = vector.broadcast %eq3A_973 : f32 to vector<16xf32>
        %eq3A_975 = arith.cmpf oeq, %select_n3A_945, %eq3A_974 : vector<16xf32>
        %jit3A_976 = arith.constant 1.000000e+00 : f32
        %jit3A_977 = arith.constant 0.000000e+00 : f32
        %broadcast_in_dim3A_978 = vector.broadcast %jit3A_976 : f32 to vector<16xf32>
        %broadcast_in_dim3A_979 = vector.broadcast %jit3A_977 : f32 to vector<16xf32>
        %select_n3A_980 = arith.select %eq3A_975, %broadcast_in_dim3A_978, %broadcast_in_dim3A_979 : vector<16xi1>, vector<16xf32>
        %add3A_981 = arith.constant 0 : i32
        %add3A_982 = arith.addi %add3A_533, %add3A_981 : i32
        %swap3A_983 = arith.index_cast %add3A_982 : i32 to index
        %swap3A_984 = tpu.vector_load %arg7[%swap3A_983] {strides = array<i32>} : memref<8192xf32, #tpu.memory_space<vmem>>, vector<16xf32>,
        %swap3A_985 = vector.shape_cast %swap3A_984 : vector<16xf32> to vector<16xf32>
        %swap3A_986 = vector.shape_cast %select_n3A_980 : vector<16xf32> to vector<16xf32>
        tpu.vector_store %arg7[%swap3A_983], %swap3A_986 {strides = array<i32>} : memref<8192xf32, #tpu.memory_space<vmem>>, vector<16xf32>,
        %sub3A_987 = arith.subf %get3A_543, %max3A_585 : vector<16xf32>
        %exp3A_988 = math.exp %sub3A_987 : vector<16xf32>
        %mul3A_989 = arith.mulf %exp3A_988, %div3A_963 : vector<16xf32>
        %add3A_990 = arith.constant 16 : i32
        %add3A_991 = arith.addi %add3A_533, %add3A_990 : i32
        %swap3A_992 = arith.index_cast %add3A_991 : i32 to index
        %swap3A_993 = tpu.vector_load %arg6[%swap3A_992] {strides = array<i32>} : memref<8192xf32, #tpu.memory_space<vmem>>, vector<16xf32>,
        %swap3A_994 = vector.shape_cast %swap3A_993 : vector<16xf32> to vector<16xf32>
        %swap3A_995 = vector.shape_cast %mul3A_989 : vector<16xf32> to vector<16xf32>
        tpu.vector_store %arg6[%swap3A_992], %swap3A_995 {strides = array<i32>} : memref<8192xf32, #tpu.memory_space<vmem>>, vector<16xf32>,
        %eq3A_996 = arith.constant 0xFF800000 : f32
        %eq3A_997 = vector.broadcast %eq3A_996 : f32 to vector<16xf32>
        %eq3A_998 = arith.cmpf oeq, %select_n3A_949, %eq3A_997 : vector<16xf32>
        %jit3A_999 = arith.constant 1.000000e+00 : f32
        %jit3A_1000 = arith.constant 0.000000e+00 : f32
        %broadcast_in_dim3A_1001 = vector.broadcast %jit3A_999 : f32 to vector<16xf32>
        %broadcast_in_dim3A_1002 = vector.broadcast %jit3A_1000 : f32 to vector<16xf32>
        %select_n3A_1003 = arith.select %eq3A_998, %broadcast_in_dim3A_1001, %broadcast_in_dim3A_1002 : vector<16xi1>, vector<16xf32>
        %add3A_1004 = arith.constant 16 : i32
        %add3A_1005 = arith.addi %add3A_533, %add3A_1004 : i32
        %swap3A_1006 = arith.index_cast %add3A_1005 : i32 to index
        %swap3A_1007 = tpu.vector_load %arg7[%swap3A_1006] {strides = array<i32>} : memref<8192xf32, #tpu.memory_space<vmem>>, vector<16xf32>,
        %swap3A_1008 = vector.shape_cast %swap3A_1007 : vector<16xf32> to vector<16xf32>
        %swap3A_1009 = vector.shape_cast %select_n3A_1003 : vector<16xf32> to vector<16xf32>
        tpu.vector_store %arg7[%swap3A_1006], %swap3A_1009 {strides = array<i32>} : memref<8192xf32, #tpu.memory_space<vmem>>, vector<16xf32>,
        %sub3A_1010 = arith.subf %get3A_548, %max3A_585 : vector<16xf32>
        %exp3A_1011 = math.exp %sub3A_1010 : vector<16xf32>
        %mul3A_1012 = arith.mulf %exp3A_1011, %div3A_963 : vector<16xf32>
        %add3A_1013 = arith.constant 32 : i32
        %add3A_1014 = arith.addi %add3A_533, %add3A_1013 : i32
        %swap3A_1015 = arith.index_cast %add3A_1014 : i32 to index
        %swap3A_1016 = tpu.vector_load %arg6[%swap3A_1015] {strides = array<i32>} : memref<8192xf32, #tpu.memory_space<vmem>>, vector<16xf32>,
        %swap3A_1017 = vector.shape_cast %swap3A_1016 : vector<16xf32> to vector<16xf32>
        %swap3A_1018 = vector.shape_cast %mul3A_1012 : vector<16xf32> to vector<16xf32>
        tpu.vector_store %arg6[%swap3A_1015], %swap3A_1018 {strides = array<i32>} : memref<8192xf32, #tpu.memory_space<vmem>>, vector<16xf32>,
        %eq3A_1019 = arith.constant 0xFF800000 : f32
        %eq3A_1020 = vector.broadcast %eq3A_1019 : f32 to vector<16xf32>
        %eq3A_1021 = arith.cmpf oeq, %select_n3A_953, %eq3A_1020 : vector<16xf32>
        %jit3A_1022 = arith.constant 1.000000e+00 : f32
        %jit3A_1023 = arith.constant 0.000000e+00 : f32
        %broadcast_in_dim3A_1024 = vector.broadcast %jit3A_1022 : f32 to vector<16xf32>
        %broadcast_in_dim3A_1025 = vector.broadcast %jit3A_1023 : f32 to vector<16xf32>
        %select_n3A_1026 = arith.select %eq3A_1021, %broadcast_in_dim3A_1024, %broadcast_in_dim3A_1025 : vector<16xi1>, vector<16xf32>
        %add3A_1027 = arith.constant 32 : i32
        %add3A_1028 = arith.addi %add3A_533, %add3A_1027 : i32
        %swap3A_1029 = arith.index_cast %add3A_1028 : i32 to index
        %swap3A_1030 = tpu.vector_load %arg7[%swap3A_1029] {strides = array<i32>} : memref<8192xf32, #tpu.memory_space<vmem>>, vector<16xf32>,
        %swap3A_1031 = vector.shape_cast %swap3A_1030 : vector<16xf32> to vector<16xf32>
        %swap3A_1032 = vector.shape_cast %select_n3A_1026 : vector<16xf32> to vector<16xf32>
        tpu.vector_store %arg7[%swap3A_1029], %swap3A_1032 {strides = array<i32>} : memref<8192xf32, #tpu.memory_space<vmem>>, vector<16xf32>,
        %sub3A_1033 = arith.subf %get3A_553, %max3A_585 : vector<16xf32>
        %exp3A_1034 = math.exp %sub3A_1033 : vector<16xf32>
        %mul3A_1035 = arith.mulf %exp3A_1034, %div3A_963 : vector<16xf32>
        %add3A_1036 = arith.constant 48 : i32
        %add3A_1037 = arith.addi %add3A_533, %add3A_1036 : i32
        %swap3A_1038 = arith.index_cast %add3A_1037 : i32 to index
        %swap3A_1039 = tpu.vector_load %arg6[%swap3A_1038] {strides = array<i32>} : memref<8192xf32, #tpu.memory_space<vmem>>, vector<16xf32>,
        %swap3A_1040 = vector.shape_cast %swap3A_1039 : vector<16xf32> to vector<16xf32>
        %swap3A_1041 = vector.shape_cast %mul3A_1035 : vector<16xf32> to vector<16xf32>
        tpu.vector_store %arg6[%swap3A_1038], %swap3A_1041 {strides = array<i32>} : memref<8192xf32, #tpu.memory_space<vmem>>, vector<16xf32>,
        %eq3A_1042 = arith.constant 0xFF800000 : f32
        %eq3A_1043 = vector.broadcast %eq3A_1042 : f32 to vector<16xf32>
        %eq3A_1044 = arith.cmpf oeq, %select_n3A_957, %eq3A_1043 : vector<16xf32>
        %jit3A_1045 = arith.constant 1.000000e+00 : f32
        %jit3A_1046 = arith.constant 0.000000e+00 : f32
        %broadcast_in_dim3A_1047 = vector.broadcast %jit3A_1045 : f32 to vector<16xf32>
        %broadcast_in_dim3A_1048 = vector.broadcast %jit3A_1046 : f32 to vector<16xf32>
        %select_n3A_1049 = arith.select %eq3A_1044, %broadcast_in_dim3A_1047, %broadcast_in_dim3A_1048 : vector<16xi1>, vector<16xf32>
        %add3A_1050 = arith.constant 48 : i32
        %add3A_1051 = arith.addi %add3A_533, %add3A_1050 : i32
        %swap3A_1052 = arith.index_cast %add3A_1051 : i32 to index
        %swap3A_1053 = tpu.vector_load %arg7[%swap3A_1052] {strides = array<i32>} : memref<8192xf32, #tpu.memory_space<vmem>>, vector<16xf32>,
        %swap3A_1054 = vector.shape_cast %swap3A_1053 : vector<16xf32> to vector<16xf32>
        %swap3A_1055 = vector.shape_cast %select_n3A_1049 : vector<16xf32> to vector<16xf32>
        tpu.vector_store %arg7[%swap3A_1052], %swap3A_1055 {strides = array<i32>} : memref<8192xf32, #tpu.memory_space<vmem>>, vector<16xf32>,
      }
      %scan3A_18 = arith.constant 64 : i32
      "tpu.region"() ({
        %run_scoped3A = tpu.sem_alloc : memref<!tpu.dma_semaphore, #tpu.memory_space<semaphore_mem>>
        %dma_start3A = tpu.memref_slice %arg3[%multiple_of3A_12] : memref<2097152xf32, #tpu.memory_space<hbm>> -> memref<8192xf32, #tpu.memory_space<hbm>>
        %dma_start3A_19 = tpu.memref_slice %arg3[%multiple_of3A_12] : memref<2097152xf32, #tpu.memory_space<hbm>> -> memref<8192xf32, #tpu.memory_space<hbm>>
        tpu.enqueue_dma source(%arg6 : memref<8192xf32, #tpu.memory_space<vmem>>) target(%dma_start3A_19 : memref<8192xf32, #tpu.memory_space<hbm>>) target_semaphore(%run_scoped3A : memref<!tpu.dma_semaphore, #tpu.memory_space<semaphore_mem>>)
        %dma_wait3A = tpu.memref_slice %arg3[%multiple_of3A_12] : memref<2097152xf32, #tpu.memory_space<hbm>> -> memref<8192xf32, #tpu.memory_space<hbm>>
        %dma_wait3A_20 = tpu.memref_slice %arg3[%multiple_of3A_12] : memref<2097152xf32, #tpu.memory_space<hbm>> -> memref<8192xf32, #tpu.memory_space<hbm>>
        tpu.wait_dma2 semaphore(%run_scoped3A : memref<!tpu.dma_semaphore, #tpu.memory_space<semaphore_mem>>) src(%arg6 : memref<8192xf32, #tpu.memory_space<vmem>>) dst(%dma_wait3A_20 : memref<8192xf32, #tpu.memory_space<hbm>>)
        tpu.yield
      }) : () -> ()
      "tpu.region"() ({
        %run_scoped3A = tpu.sem_alloc : memref<!tpu.dma_semaphore, #tpu.memory_space<semaphore_mem>>
        %dma_start3A = tpu.memref_slice %arg4[%multiple_of3A_12] : memref<2097152xf32, #tpu.memory_space<hbm>> -> memref<8192xf32, #tpu.memory_space<hbm>>
        %dma_start3A_19 = tpu.memref_slice %arg4[%multiple_of3A_12] : memref<2097152xf32, #tpu.memory_space<hbm>> -> memref<8192xf32, #tpu.memory_space<hbm>>
        tpu.enqueue_dma source(%arg7 : memref<8192xf32, #tpu.memory_space<vmem>>) target(%dma_start3A_19 : memref<8192xf32, #tpu.memory_space<hbm>>) target_semaphore(%run_scoped3A : memref<!tpu.dma_semaphore, #tpu.memory_space<semaphore_mem>>)
        %dma_wait3A = tpu.memref_slice %arg4[%multiple_of3A_12] : memref<2097152xf32, #tpu.memory_space<hbm>> -> memref<8192xf32, #tpu.memory_space<hbm>>
        %dma_wait3A_20 = tpu.memref_slice %arg4[%multiple_of3A_12] : memref<2097152xf32, #tpu.memory_space<hbm>> -> memref<8192xf32, #tpu.memory_space<hbm>>
        tpu.wait_dma2 semaphore(%run_scoped3A : memref<!tpu.dma_semaphore, #tpu.memory_space<semaphore_mem>>) src(%arg7 : memref<8192xf32, #tpu.memory_space<vmem>>) dst(%dma_wait3A_20 : memref<8192xf32, #tpu.memory_space<hbm>>)
        tpu.yield
      }) : () -> ()
    }
    %scan3A_7 = arith.constant 8 : i32
    return
  }
}

module attributes {stable_mosaic.version = 14 : i64} {
  func.func @_logits_kernel(%arg0: i32, %arg1: memref<1024x4096xf32, #tpu.memory_space<vmem>>, %arg2: memref<64x4096xf32, #tpu.memory_space<vmem>>, %arg3: memref<1024x64xf32, #tpu.memory_space<vmem>>) attributes {dimension_semantics = [#tpu.dimension_semantics<parallel>], iteration_bounds = array<i64: 32>, scalar_prefetch = 0 : i64, scratch_operands = 0 : i64, tpu.core_type = #tpu.core_type<tc>, window_params = [{transform_indices = @transform_0, window_bounds = array<i64: 1024, 4096>}, {pipeline_mode = #tpu.pipeline_mode<synchronous>, transform_indices = @transform_1, window_bounds = array<i64: 64, 4096>}, {transform_indices = @transform_2, window_bounds = array<i64: 1024, 64>}]} {
    %get3A = arith.constant 0 : index
    %get3A_0 = arith.constant 0 : index
    %get3A_1 = vector.load %arg1[%get3A, %get3A_0] : memref<1024x4096xf32, #tpu.memory_space<vmem>>, vector<1024x4096xf32>
    %get3A_2 = arith.constant 0 : index
    %get3A_3 = arith.constant 0 : index
    %get3A_4 = vector.load %arg2[%get3A_2, %get3A_3] : memref<64x4096xf32, #tpu.memory_space<vmem>>, vector<64x4096xf32>
    %dot_general3A = arith.constant dense<0.000000e+00> : vector<1024x64xf32>
    %dot_general3A_5 = tpu.matmul %get3A_1, %get3A_4, %dot_general3A {dimension_numbers = #tpu.dot_dimension_numbers<[1], [1], [0], [0], [0, 0, 1, 0], [], []>, transpose_lhs_hint = false} : vector<1024x4096xf32>, vector<64x4096xf32>, vector<1024x64xf32> -> vector<1024x64xf32>
    %swap3A = arith.constant 0 : index
    %swap3A_6 = arith.constant 0 : index
    %swap3A_7 = vector.load %arg3[%swap3A, %swap3A_6] : memref<1024x64xf32, #tpu.memory_space<vmem>>, vector<1024x64xf32>
    tpu.vector_store %arg3[%swap3A, %swap3A_6], %dot_general3A_5 {strides = array<i32>} : memref<1024x64xf32, #tpu.memory_space<vmem>>, vector<1024x64xf32>,
    return
  }
  func.func @transform_0(%arg0: i32) -> (i32, i32) {
    %c0_i32 = arith.constant 0 : i32
    %c0_i32_0 = arith.constant 0 : i32
    return %arg0, %c0_i32 : i32, i32
  }
  func.func @transform_1(%arg0: i32) -> (i32, i32) {
    %c0_i32 = arith.constant 0 : i32
    %c0_i32_0 = arith.constant 0 : i32
    %c0_i32_1 = arith.constant 0 : i32
    return %c0_i32, %c0_i32_0 : i32, i32
  }
  func.func @transform_2(%arg0: i32) -> (i32, i32) {
    %c0_i32 = arith.constant 0 : i32
    %c0_i32_0 = arith.constant 0 : i32
    return %arg0, %c0_i32 : i32, i32
  }
}

</mosaic_0001>

<sc_bundles>
// kernel: kernel.4.cloned.1.call-start
scs
__scs_entry_jumppad:
0x0: {  	(pc) =	sbr.rel $0x88, $3  }
0x1: {  	(tag) =	ssettag $0x0;
	lr =	simm.s32 $0x1  }
0x2: {  	[smem:$0x3F9F] =	sst lr;
	_ =	strace $0xD0000000  }
0x3: {  	_ = 	snop  }
0x4: {  	_ = 	snop  }
0x5: {  	_ = 	snop  }
0x6: {  	_ = 	snop  }
0x7: {  	_ = 	snop  }
__scs_overlays_trampoline_lowered:
0x8: {  	[smem:$0x3FAE] =	sst s0  }
0x9: {  	[smem:$0x3FAF] =	sst s1  }
0xa: {  	[smem:$0x3FB0] =	sst s2  }
0xb: {  	[smem:$0x3FB1] =	sst s3  }
0xc: {  	[smem:$0x3FB2] =	sst s4  }
0xd: {  	[smem:$0x3FB3] =	sst s5  }
0xe: {  	[smem:$0x3FB4] =	sst s6  }
0xf: {  	[smem:$0x3FB5] =	sst s7  }
0x10: {  	[smem:$0x3FB6] =	sst s8  }
0x11: {  	[smem:$0x3FB7] =	sst s9;
	s0 =	simm.s32 @!p0 $0x0  }
0x12: {  	s1 =	sld [smem:$0x3F9D];
	s0 =	simm.s32 @p0 $0x1  }
0x13: {  	[smem:$0x3FB8] =	sst s0;
	s0 =	simm.s32 @!p1 $0x0  }
0x14: {  	s2 =	sld [smem:$0x3F9C];
	s0 =	simm.s32 @p1 $0x1  }
0x15: {  	[smem:$0x3FB9] =	sst s0;
	s0 =	simm.s32 @!p2 $0x0  }
0x16: {  	s3 =	sld [smem:$0x3FDB];
	s0 =	simm.s32 @p2 $0x1  }
0x17: {  	s4 =	simm.s32 $0x1BF5;
	[smem:$0x3FBB] =	sst s0  }
0x18: {  	s0 =	sld [smem:$0x3F9E];
	_ =	swait.ge [sflag:s4], $0x0  }
0x19: {  	s7 =	sld [smem:$0x3F9F]  }
0x1a: {  	s8 =	sadd.s32 $0xFFFFE003, lr  }
0x1b: {  	s9 =	sadd.s32 $0xFFFFFEF7, lr;
	s5 =	simm.s32 $0xFFFFFFFF;
	p2 =	slt.u32 s8, $0xFFFFF086  }
0x1c: {  	p1 =	slt.u32 s9, $0xF7A;
	s5 =	simm.s32 @!p2 $0x0  }
0x1d: {  	s5 =	simm.s32 @p1 $0x1;
	p0 =	seq.s32 s7, s2  }
0x1e: {  	s7 =	smul.u32 @!p0 $0xF7A, s2;
	p2 =	seq.s32 @!p0 s5, $0x0  }
0x1f: {  	s9 =	smul.u32 $0xF7A, s1;
	s8 =	simm.s32 @!p0 $0x1BF5;
	p2 =	por !p2, p0  }
0x20: {  	[sflag:s8] =	ssyncset.s32 @!p0 $0xFFFFF086;
	s6 =	sadd.s32 @!p0 s3, s7;
	s7 =	simm.s32 @!p0 $0x108  }
0x21: {  	s3 =	sadd.s32 s3, s9;
	s6 =	sadd.s32 @!p0 $0x88, s6;
	s7 =	simm.s32 @p2 $0x1082  }
0x22: {  	[simem:s7], [sflag:s8] =	dma.local @!p0 [hbm:s6], $0xF7A  }
0x23: {  	s9 =	sor.u32 $0xD0000000, s2;
	s6 =	simm.s32 $0x108;
	_ =	swait.ge @!p0 [sflag:s8], $0x0  }
0x24: {  	s3 =	sadd.s32 $0x88, s3;
	s6 =	simm.s32 @!p1 $0x1082;
	[sflag:s4] =	ssyncset.s32 $0xFFFFF086  }
0x25: {  	[simem:s6], [sflag:s4] =	dma.local [hbm:s3], $0xF7A  }
0x26: {  	[smem:$0x3F9F] =	sst s1;
	(tag) =	ssettag s2;
	_ =	strace s9  }
0x27: {  	s1 =	sld [smem:$0x3FAF]  }
0x28: {  	s2 =	sld [smem:$0x3FB0]  }
0x29: {  	s4 =	sld [smem:$0x3FB2]  }
0x2a: {  	p0 =	seq.s32 s5, $0x0;
	s5 =	sld [smem:$0x3FB3]  }
0x2b: {  	s6 =	sld [smem:$0x3FB4]  }
0x2c: {  	s7 =	sld [smem:$0x3FB5]  }
0x2d: {  	s3 =	simm.s32 $0x108;
	s8 =	sld [smem:$0x3FB6]  }
0x2e: {  	s3 =	simm.s32 @!p0 $0x1082;
	s9 =	sld [smem:$0x3FB7]  }
0x2f: {  	lr =	sadd.s32 s0, s3;
	s0 =	sld [smem:$0x3FAE]  }
0x30: {  	s3 =	sld [smem:$0x3FB1]  }
0x31: {  	[smem:$0x3FBA] =	sst s10  }
0x32: {  	s10 =	sld [smem:$0x3FB8];
	_ =	sdelay $0x3  }
0x33: {  	p0 =	seq.s32 s10, $0x1;
	s10 =	sld [smem:$0x3FBA];
	_ =	sdelay $0x3  }
0x34: {  	[smem:$0x3FBA] =	sst s10  }
0x35: {  	s10 =	sld [smem:$0x3FB9];
	_ =	sdelay $0x3  }
0x36: {  	p1 =	seq.s32 s10, $0x1;
	s10 =	sld [smem:$0x3FBA];
	_ =	sdelay $0x3  }
0x37: {  	[smem:$0x3FBA] =	sst s10  }
0x38: {  	s10 =	sld [smem:$0x3FBB]  }
0x39: {  	_ = 	snop;
	(pc) =	sbr.ind lr, $3  }
0x3a: {  	_ = 	snop  }
0x3b: {  	_ = 	snop  }
0x3c: {  	p2 =	seq.s32 s10, $0x1;
	s10 =	sld [smem:$0x3FBA]  }
0x3d: {  	_ =	shalt  }
0x3e: {  	_ =	shalt  }
0x3f: {  	_ =	shalt  }
0x40: {  	_ =	shalt  }
0x41: {  	_ =	shalt  }
0x42: {  	_ =	shalt  }
0x43: {  	_ =	shalt  }
0x44: {  	_ =	shalt  }
0x45: {  	_ =	shalt  }
0x46: {  	_ =	shalt  }
0x47: {  	_ =	shalt  }
0x48: {  	_ =	shalt  }
0x49: {  	_ =	shalt  }
0x4a: {  	_ =	shalt  }
0x4b: {  	_ =	shalt  }
0x4c: {  	_ =	shalt  }
0x4d: {  	_ =	shalt  }
0x4e: {  	_ =	shalt  }
0x4f: {  	_ =	shalt  }
0x50: {  	_ =	shalt  }
0x51: {  	_ =	shalt  }
0x52: {  	_ =	shalt  }
0x53: {  	_ =	shalt  }
0x54: {  	_ =	shalt  }
0x55: {  	_ =	shalt  }
0x56: {  	_ =	shalt  }
0x57: {  	_ =	shalt  }
0x58: {  	_ =	shalt  }
0x59: {  	_ =	shalt  }
0x5a: {  	_ =	shalt  }
0x5b: {  	_ =	shalt  }
0x5c: {  	_ =	shalt  }
0x5d: {  	_ =	shalt  }
0x5e: {  	_ =	shalt  }
0x5f: {  	_ =	shalt  }
0x60: {  	_ =	shalt  }
0x61: {  	_ =	shalt  }
0x62: {  	_ =	shalt  }
0x63: {  	_ =	shalt  }
0x64: {  	_ =	shalt  }
0x65: {  	_ =	shalt  }
0x66: {  	_ =	shalt  }
0x67: {  	_ =	shalt  }
0x68: {  	_ =	shalt  }
0x69: {  	_ =	shalt  }
0x6a: {  	_ =	shalt  }
0x6b: {  	_ =	shalt  }
0x6c: {  	_ =	shalt  }
0x6d: {  	_ =	shalt  }
0x6e: {  	_ =	shalt  }
0x6f: {  	_ =	shalt  }
0x70: {  	_ =	shalt  }
0x71: {  	_ =	shalt  }
0x72: {  	_ =	shalt  }
0x73: {  	_ =	shalt  }
0x74: {  	_ =	shalt  }
0x75: {  	_ =	shalt  }
0x76: {  	_ =	shalt  }
0x77: {  	_ =	shalt  }
0x78: {  	_ =	shalt  }
0x79: {  	_ =	shalt  }
0x7a: {  	_ =	shalt  }
0x7b: {  	_ =	shalt  }
0x7c: {  	_ =	shalt  }
0x7d: {  	_ =	shalt  }
0x7e: {  	_ =	shalt  }
0x7f: {  	_ =	shalt  }
0x80: {  	_ =	shalt  }
0x81: {  	_ =	shalt  }
0x82: {  	_ =	shalt  }
0x83: {  	_ =	shalt  }
0x84: {  	_ =	shalt  }
0x85: {  	_ =	shalt  }
0x86: {  	_ =	shalt  }
0x87: {  	_ =	shalt  }
.Lfunc_end0:
.L_simem_size_0:
called_computation_lowered:
.L_overlay_start_0:
0x88: {  	s2 =	sld [smem:$0x3FD9]  }
0x89: {  	s3 =	sld [smem:$0x3FFE];
	_ =	sdelay $0x1  }
0x8a: {  	s1 =	srdreg.scid  }
0x8b: {  	s0 =	sand.u32 $0x1, s1  }
0x8c: {  	s14 =	sshll.u32 s0, $0xA;
	s2 =	sadd.s32 s3, s2  }
0x8d: {  	s2 =	sadd.s32 s2, s14  }
0x8e: {  	[smem:$0x3FC6] =	sst s2  }
0x8f: {  	_ = 	snop  }
0x90: {  	s2 =	sld [smem:$0x3FD0];
	_ =	sdelay $0x2  }
0x91: {  	s15 =	simm.s32 $0xA;
	s4 =	simm.s32 $0x10  }
0x92: {  	[smem:s4], [sflag:s15] =	dma.local [hbm:s2], $0x1  }
0x93: {  	_ =	swait.eq [sflag:s15], $0x1  }
0x94: {  	[sflag:s15] =	ssyncset.done $0x0  }
0x95: {  	[sflag:s15] =	ssyncadd.s32 $0xFFFFFFFF  }
0x96: {  	s16 =	sld [smem:$0x10];
	(tm) =	ssettm $0x1  }
0x97: {  	s17 =	sld [smem:$0x3FFB];
	_ =	sdelay $0x3  }
0x98: {  	_ =	strace s17  }
0x99: {  	s3 =	sld [smem:$0x3FFC];
	_ =	sdelay $0x3  }
0x9a: {  	_ =	strace s3  }
0x9b: {  	s3 =	sld [smem:$0x3FFD];
	_ =	sdelay $0x3  }
0x9c: {  	_ =	strace s3  }
0x9d: {  	_ =	strace $0x8FFFFFFF  }
0x9e: {  	s18 =	sld [smem:$0x3FDB];
	_ =	sdelay $0x1  }
0x9f: {  	s19 =	simm.s32 $_scs_section_size  }
0xa0: {  	s5 =	simm.s32 $_size__tile_overlayer_lowered;
	s6 =	simm.s32 $_tile_overlayer_lowered  }
0xa1: {  	s22 =	simm.s32 $0x1BFF;
	s21 =	sshll.u32 s6, $0x1;
	s3 =	sadd.s32 s19, s18  }
0xa2: {  	s7 =	simm.s32 $0x0;
	s20 =	sshll.u32 s5, $0x1;
	s5 =	sadd.s32 s21, s3  }
0xa3: {  	[timem:s7], [sflag:s22] =	dma.local [hbm:s5], s20  }
0xa4: {  	_ =	swait.ge [sflag:s22], s20  }
0xa5: {  	s4 =	ssub.s32 $0x0, s20;
	[sflag:s22] =	ssyncset.done $0x0  }
0xa6: {  	[sflag:s22] =	ssyncadd.s32 s4;
	_ =	sdelay $0x1  }
0xa7: {  	s23 =	simm.s32 $0x1B8B  }
0xa8: {  	_ =	swait.ge [sflag:s23], $0x1  }
0xa9: {  	[sflag:s23] =	ssyncset.done $0x0  }
0xaa: {  	s25 =	simm.s32 $0x1B8E;
	s24 =	sld [smem:$0x3FFE];
	[sflag:s23] =	ssyncadd.s32 $0xFFFFFFFF  }
0xab: {  	s26 =	simm.s32 $execute0_lowered;
	[smem:$0x3FD2] =	sst s25  }
0xac: {  	s5 =	sshll.u32 s26, $0x1;
	_ =	strace $0x80000046;
	[dreg:$0x1] =	wrdreg $0xFFFFFFFF  }
0xad: {  	s28 =	simm.s32 $_size_execute0_lowered;
	s3 =	sadd.s32 s3, s5;
	[dreg:$0x0] =	wrdreg $0x0  }
0xae: {  	s5 =	sshll.u32 s28, $0x1;
	[dreg:$0x2] =	wrdreg s3  }
0xaf: {  	[dreg:$0x3] =	wrdreg s5  }
0xb0: {  	[dreg:$0x4] =	wrdreg $0xC0  }
0xb1: {  	_ =	task [dreg:s7], $0x5FFFF  }
0xb2: {  	[dreg:$0x1] =	wrdreg $0xFFFFFFFF  }
0xb3: {  	[dreg:$0x0] =	wrdreg $0x60  }
0xb4: {  	[dreg:$0x2] =	wrdreg s16  }
0xb5: {  	[dreg:$0x3] =	wrdreg s24  }
0xb6: {  	[dreg:$0x4] =	wrdreg $0x9  }
0xb7: {  	_ =	task.clear_ibuf [dreg:s7], $0x5FFFF;
	_ =	strace $0x90000046  }
0xb8: {  	s29 =	simm.s32 $0x9;
	_ =	strace $0x80000048  }
0xb9: {  	_ =	swait.ge [sflag:s29], $0x1  }
0xba: {  	[sflag:s29] =	ssyncadd.s32 $0xFFFFFFFF  }
0xbb: {  	_ =	strace $0x90000048  }
0xbc: {  	_ =	sfence  }
0xbd: {  	s30 =	sld [smem:$0x0];
	_ =	sdelay $0x2  }
0xbe: {  	s31 =	sshll.u32 s1, $0xD;
	s1 =	sshrl.u32 s1, $0x2  }
0xbf: {  	s3 =	sand.u32 $0x4000, s31;
	s1 =	sadd.s32 s1, s30  }
0xc0: {  	s0 =	sor.u32 s3, s0;
	s1 =	sshll.u32 s1, $0x11  }
0xc1: {  	s0 =	sor.u32 s1, s0  }
0xc2: {  	s0 =	sadd.s32 $0x8F2B, s0  }
0xc3: {  	[sflag:s0] =	ssyncadd.remote.s32 $0x1  }
0xc4: {  	_ =	sfence.sel $0xFFFF  }
0xc5: {  	[dreg:$0x0] =	wrdreg $0xFFFFFFFF;
	(pc) =	sbr.abs _section_cstart, $3  }
0xc6: {  	[dreg:$0x1] =	wrdreg $0xFFFFFFFF  }
0xc7: {  	_ =	task.clear_ibuf [dreg:s7], $0x2FFFF;
	_ =	strace $0x9FFFFFFF  }
0xc8: {  	(tm) =	ssettm $0x7FFFFFFF  }
0xc9: {  	_ =	shalt  }
tec
execute0_lowered:
.L_overlay_start_1:
0x0: {  	(tag) =	ssettag $0x1  }
0x1: {  	v0 =	vimm.s32 $0xFEDCBA98;
	v1 =	vimm.s32 $0x76543210  }
0x2: {  	v2 =	vimm.s32 $0xBA98FEDC;
	v3 =	vimm.s32 $0x32107654;
	v4 =	vimm.s32 $0xDCFE98BA  }
0x3: {  	v5 =	vimm.s32 $0x54761032;
	v6 =	vimm.s32 $0xEFCDAB89;
	v7 =	vimm.s32 $0x67452301  }
0x4: {  	s0 =	rddreg [dreg:$0x0];
	v0 =	vunpack.c.l.s4.s8 v0;
	v1 =	vunpack.c.l.s4.s8 v1;
	v2 =	vunpack.c.l.s4.s8 v2  }
0x5: {  	s4 =	rddreg [dreg:$0x1];
	v3 =	vunpack.c.l.s4.s8 v3;
	v4 =	vunpack.c.l.s4.s8 v4;
	v5 =	vunpack.c.l.s4.s8 v5  }
0x6: {  	s1 =	rddreg [dreg:$0x2];
	s2 =	simm.s32 $0x0;
	v6 =	vunpack.c.l.s4.s8 v6;
	v7 =	vunpack.c.l.s4.s8 v7;
	v0 =	vunpack.c.0.s8.s32 v0  }
0x7: {  	s3 =	srdreg.scid;
	s9 =	simm.s32 $0x2000;
	s10 =	simm.s32 $0x4000;
	v2 =	vunpack.c.0.s8.s32 v2;
	v3 =	vunpack.c.0.s8.s32 v3;
	v4 =	vunpack.c.0.s8.s32 v4  }
0x8: {  	s11 =	simm.s32 $0x0;
	[smem:$0x7FF] =	sst s2;
	s6 =	sand.u32 $0x1, s3;
	v5 =	vunpack.c.0.s8.s32 v5;
	v6 =	vunpack.c.0.s8.s32 v6;
	v7 =	vunpack.c.0.s8.s32 v7  }
0x9: {  	s3 =	sadd.s32 $0x41200, s4;
	s5 =	sadd.s32 $0x1200, s4;
	s7 =	ssub.s32 $0x2, s6;
	v1 =	vunpack.c.0.s8.s32 v1;
	v2 =	vcombine.low v3, v2  }
0xa: {  	s4 =	stileid.u32;
	_ =	strace $0x80000047;
	s8 =	sshrl.u32 s7, $0x1;
	v3 =	vcombine.low v5, v4;
	v4 =	vcombine.low v7, v6;
	v0 =	vand.u32 $0xF, v0  }
0xb: {  	s31 =	sshll.u32 s4, $0xE;
	s6 =	sshll.u32 s6, $0xD;
	s7 =	ssub.s32 s7, s8;
	v0 =	vcombine.low v0, v1;
	v1 =	vand.u32 $0xF, v2  }
0xc: {  	s6 =	sor.u32 s6, s31;
	s8 =	simm.s32 $0x1;
	s7 =	smax.u32 s7, $0x1;
	v2 =	vand.u32 $0xF, v3;
	v3 =	vand.u32 $0xF, v4;
	v4 =	vimm.f32 $0.0e+00  }
.LBB2_1:
0xd: {  	s12 =	simm.s32 $0x0  }
.LBB2_2:
0xe: {  	s13 =	sshll.u32 s12, $0xA  }
0xf: {  	s13 =	sadd.s32 s6, s13  }
0x10: {  	s15 =	simm.s32 $0x0;
	s14 =	sadd.s32 s0, s13  }
0x11: {  	[tilespmem:s15], [sflag:$0x1] =	stream.linear.gather [hbm4b:s14+s15], $0x2000, $0x38;
	[tilespmem:$0x6000] =	vst v63  }
0x12: {  	_ =	swait.ge [sflag:s8], $0x2000  }
0x13: {  	[sflag:s8] =	ssyncset.done $0x0  }
0x14: {  	s14 =	simm.s32 $0x0;
	[sflag:s8] =	ssyncadd.s32 $0xFFFFE000  }
0x15: {  	v8 =	vld [tilespmem:s14+$0x40]  }
0x16: {  	v7 =	vld [tilespmem:s14+$0x50]  }
0x17: {  	v6 =	vld [tilespmem:s14+$0x60]  }
0x18: {  	v13 =	vld [tilespmem:s14+$0x70];
	_ =	sdelay $0x2  }
0x19: {  	v12 =	vld [tilespmem:s14+$0x0]  }
0x1a: {  	v11 =	vld [tilespmem:s14+$0x10]  }
0x1b: {  	v9 =	vld [tilespmem:s14+$0x20];
	v5 =	vmax.f32 v8, v7;
	v14 =	vmax.f32 v6, v13  }
0x1c: {  	v10 =	vld [tilespmem:s14+$0x30];
	v5 =	vmax.f32 v5, v14  }
0x1d: {  	v14 =	vperm.xlane v5, v0;
	_ =	sdelay $0x1  }
0x1e: {  	v5 =	vmax.f32 v5, v14  }
0x1f: {  	v14 =	vperm.xlane v5, v1  }
0x20: {  	v15 =	vmax.f32 v12, v11;
	v16 =	vmax.f32 v9, v10  }
0x21: {  	v15 =	vmax.f32 v15, v16;
	v5 =	vmax.f32 v5, v14  }
0x22: {  	v14 =	vperm.xlane v15, v0;
	v16 =	vperm.xlane v5, v2;
	_ =	sdelay $0x1  }
0x23: {  	v14 =	vmax.f32 v15, v14;
	v5 =	vmax.f32 v5, v16  }
0x24: {  	v15 =	vperm.xlane v14, v1;
	v16 =	vperm.xlane v5, v3;
	_ =	sdelay $0x1  }
0x25: {  	v15 =	vmax.f32 v14, v15;
	v14 =	vmax.f32 v5, v16  }
0x26: {  	v5 =	vperm.xlane v15, v2;
	vm0 =	veq.f32 v8, v14;
	vm1 =	veq.f32 v7, v14  }
0x27: {  	vm2 =	veq.f32 v13, v14;
	v16 =	vsel vm0, $0xFF800000, v8;
	vm0 =	veq.f32 v6, v14  }
0x28: {  	v17 =	vsel vm1, $0xFF800000, v7;
	v20 =	vsel vm2, $0xFF800000, v13;
	v19 =	vsel vm0, $0xFF800000, v6  }
0x29: {  	v18 =	vmax.f32 v16, v17;
	v21 =	vmax.f32 v19, v20  }
0x2a: {  	v5 =	vmax.f32 v15, v5;
	v15 =	vmax.f32 v18, v21  }
0x2b: {  	v18 =	vperm.xlane v5, v3;
	v21 =	vperm.xlane v15, v0;
	_ =	sdelay $0x1  }
0x2c: {  	v5 =	vmax.f32 v5, v18;
	v15 =	vmax.f32 v15, v21  }
0x2d: {  	vm0 =	veq.f32 v12, v5;
	v18 =	vperm.xlane v15, v1  }
0x2e: {  	vm1 =	veq.f32 v11, v5;
	vm2 =	veq.f32 v9, v5;
	v21 =	vsel vm0, $0xFF800000, v12  }
0x2f: {  	vm0 =	veq.f32 v10, v5;
	v22 =	vsel vm1, $0xFF800000, v11;
	v15 =	vmax.f32 v15, v18  }
0x30: {  	v23 =	vsel vm2, $0xFF800000, v9;
	v24 =	vsel vm0, $0xFF800000, v10;
	v18 =	vperm.xlane v15, v2  }
0x31: {  	v25 =	vmax.f32 v21, v22;
	v26 =	vmax.f32 v23, v24  }
0x32: {  	v25 =	vmax.f32 v25, v26;
	v15 =	vmax.f32 v15, v18  }
0x33: {  	v18 =	vperm.xlane v25, v0;
	v26 =	vperm.xlane v15, v3;
	_ =	sdelay $0x1  }
0x34: {  	v25 =	vmax.f32 v25, v18;
	v18 =	vmax.f32 v15, v26  }
0x35: {  	v15 =	vperm.xlane v25, v1;
	vm0 =	veq.f32 v16, v18;
	vm1 =	veq.f32 v17, v18  }
0x36: {  	vm2 =	veq.f32 v20, v18;
	v16 =	vsel vm0, $0xFF800000, v16;
	vm0 =	veq.f32 v19, v18  }
0x37: {  	v17 =	vsel vm1, $0xFF800000, v17;
	v20 =	vsel vm2, $0xFF800000, v20;
	v26 =	vsel vm0, $0xFF800000, v19  }
0x38: {  	v19 =	vmax.f32 v16, v17;
	v27 =	vmax.f32 v26, v20  }
0x39: {  	v15 =	vmax.f32 v25, v15;
	v19 =	vmax.f32 v19, v27  }
0x3a: {  	v25 =	vperm.xlane v15, v2;
	v27 =	vperm.xlane v19, v0;
	_ =	sdelay $0x1  }
0x3b: {  	v15 =	vmax.f32 v15, v25;
	v19 =	vmax.f32 v19, v27  }
0x3c: {  	v25 =	vperm.xlane v15, v3;
	v27 =	vperm.xlane v19, v1;
	_ =	sdelay $0x1  }
0x3d: {  	v15 =	vmax.f32 v15, v25;
	v19 =	vmax.f32 v19, v27  }
0x3e: {  	vm0 =	veq.f32 v21, v15;
	v25 =	vperm.xlane v19, v2  }
0x3f: {  	vm1 =	veq.f32 v22, v15;
	vm2 =	veq.f32 v23, v15;
	v21 =	vsel vm0, $0xFF800000, v21  }
0x40: {  	vm0 =	veq.f32 v24, v15;
	v22 =	vsel vm1, $0xFF800000, v22;
	v19 =	vmax.f32 v19, v25  }
0x41: {  	v23 =	vsel vm2, $0xFF800000, v23;
	v24 =	vsel vm0, $0xFF800000, v24;
	v25 =	vperm.xlane v19, v3  }
0x42: {  	v27 =	vmax.f32 v21, v22;
	v28 =	vmax.f32 v23, v24  }
0x43: {  	v27 =	vmax.f32 v27, v28;
	v19 =	vmax.f32 v19, v25  }
0x44: {  	v25 =	vperm.xlane v27, v0;
	vm0 =	veq.f32 v16, v19;
	vm1 =	veq.f32 v17, v19  }
0x45: {  	vm2 =	veq.f32 v20, v19;
	v16 =	vsel vm0, $0xFF800000, v16;
	vm0 =	veq.f32 v26, v19  }
0x46: {  	v17 =	vsel vm1, $0xFF800000, v17;
	v28 =	vsel vm2, $0xFF800000, v20;
	v26 =	vsel vm0, $0xFF800000, v26  }
0x47: {  	v20 =	vmax.f32 v27, v25;
	v25 =	vmax.f32 v16, v17;
	v27 =	vmax.f32 v26, v28  }
0x48: {  	v29 =	vperm.xlane v20, v1;
	v25 =	vmax.f32 v25, v27  }
0x49: {  	v27 =	vperm.xlane v25, v0  }
0x4a: {  	v20 =	vmax.f32 v20, v29  }
0x4b: {  	v29 =	vperm.xlane v20, v2;
	v25 =	vmax.f32 v25, v27  }
0x4c: {  	v27 =	vperm.xlane v25, v1  }
0x4d: {  	v20 =	vmax.f32 v20, v29  }
0x4e: {  	v29 =	vperm.xlane v20, v3;
	v25 =	vmax.f32 v25, v27  }
0x4f: {  	v27 =	vperm.xlane v25, v2  }
0x50: {  	v29 =	vmax.f32 v20, v29  }
0x51: {  	vm0 =	veq.f32 v21, v29;
	vm1 =	veq.f32 v22, v29;
	v20 =	vmax.f32 v25, v27  }
0x52: {  	vm2 =	veq.f32 v23, v29;
	v25 =	vsel vm0, $0xFF800000, v21;
	v21 =	vperm.xlane v20, v3  }
0x53: {  	v22 =	vsel vm1, $0xFF800000, v22;
	v23 =	vsel vm2, $0xFF800000, v23;
	vm0 =	veq.f32 v24, v29  }
0x54: {  	v24 =	vsel vm0, $0xFF800000, v24;
	v27 =	vmax.f32 v25, v22;
	v20 =	vmax.f32 v20, v21  }
0x55: {  	v21 =	vmax.f32 v23, v24;
	vm0 =	veq.f32 v16, v20;
	vm1 =	veq.f32 v17, v20  }
0x56: {  	vm2 =	veq.f32 v28, v20;
	v16 =	vsel vm0, $0xFF800000, v16;
	vm0 =	veq.f32 v26, v20  }
0x57: {  	v17 =	vsel vm1, $0xFF800000, v17;
	v28 =	vsel vm2, $0xFF800000, v28;
	v26 =	vsel vm0, $0xFF800000, v26  }
0x58: {  	v21 =	vmax.f32 v27, v21;
	v27 =	vmax.f32 v16, v17;
	v30 =	vmax.f32 v26, v28  }
0x59: {  	v31 =	vperm.xlane v21, v0;
	v27 =	vmax.f32 v27, v30  }
0x5a: {  	v30 =	vperm.xlane v27, v0  }
0x5b: {  	v8 =	vsub.f32 v8, v14;
	v21 =	vmax.f32 v21, v31  }
0x5c: {  	v15 =	vsub.f32 v15, v5;
	v31 =	vperm.xlane v21, v1;
	v27 =	vmax.f32 v27, v30  }
0x5d: {  	v30 =	vperm.xlane v27, v1  }
0x5e: {  	v8 =	vmul.f32 $1.442695020e+00, v8;
	v15 =	vmul.f32 $1.442695020e+00, v15;
	v21 =	vmax.f32 v21, v31  }
0x5f: {  	v12 =	vsub.f32 v12, v5;
	v31 =	vperm.xlane v21, v2;
	v27 =	vmax.f32 v27, v30  }
0x60: {  	v11 =	vsub.f32 v11, v5;
	(erf) = vpow2.f32 v15;
	v15 =	vperm.xlane v27, v2  }
0x61: {  	v9 =	vsub.f32 v9, v5;
	v12 =	vmul.f32 $1.442695020e+00, v12;
	v21 =	vmax.f32 v21, v31  }
0x62: {  	v29 =	vsub.f32 v29, v5;
	v30 =	vperm.xlane v21, v3;
	v15 =	vmax.f32 v27, v15  }
0x63: {  	v10 =	vsub.f32 v10, v5;
	v11 =	vmul.f32 $1.442695020e+00, v11;
	v27 =	vperm.xlane v15, v3  }
0x64: {  	v9 =	vmul.f32 $1.442695020e+00, v9;
	v29 =	vmul.f32 $1.442695020e+00, v29;
	v30 =	vmax.f32 v21, v30  }
0x65: {  	vm0 =	veq.f32 v25, v30;
	vm1 =	veq.f32 v22, v30;
	v21 =	vmax.f32 v15, v27  }
0x66: {  	vm2 =	veq.f32 v23, v30;
	vm3 =	veq.f32 v16, v21;
	vm4 =	veq.f32 v17, v21  }
0x67: {  	vm5 =	veq.f32 v28, v21;
	v15 =	vsel vm3, $0xFF800000, v16;
	vm3 =	veq.f32 v26, v21  }
0x68: {  	v16 =	vsel vm4, $0xFF800000, v17;
	v17 =	vsel vm3, $0xFF800000, v26;
	v26 =	vsel vm5, $0xFF800000, v28  }
0x69: {  	v25 =	vsel vm0, $0xFF800000, v25;
	v27 =	vmax.f32 v15, v16;
	v28 =	vmax.f32 v17, v26  }
0x6a: {  	vm0 =	veq.f32 v24, v30;
	v22 =	vsel vm1, $0xFF800000, v22;
	v27 =	vmax.f32 v27, v28  }
0x6b: {  	v23 =	vsel vm2, $0xFF800000, v23;
	v24 =	vsel vm0, $0xFF800000, v24;
	v28 =	vperm.xlane v27, v0  }
0x6c: {  	(erf) = vpow2.f32 v29;
	v29 =	vmax.f32 v25, v22;
	v31 =	vmax.f32 v23, v24  }
0x6d: {  	(erf) = vpow2.f32 v12;
	v12 =	vmax.f32 v29, v31;
	v27 =	vmax.f32 v27, v28  }
0x6e: {  	v28 =	vperm.xlane v12, v0;
	v29 =	vperm.xlane v27, v1  }
0x6f: {  	v7 =	vsub.f32 v7, v14;
	v10 =	vmul.f32 $1.442695020e+00, v10;
	(erf) = vpow2.f32 v11  }
0x70: {  	(erf) = vpow2.f32 v9;
	v9 =	vmax.f32 v12, v28;
	v11 =	vmax.f32 v27, v29  }
0x71: {  	v12 =	vperm.xlane v9, v1;
	v27 =	vperm.xlane v11, v2  }
0x72: {  	v6 =	vsub.f32 v6, v14;
	v7 =	vmul.f32 $1.442695020e+00, v7;
	(erf) = vpow2.f32 v10  }
0x73: {  	(erf) = vpow2.f32 v8;
	v8 =	vmax.f32 v9, v12;
	v9 =	vmax.f32 v11, v27  }
0x74: {  	v10 =	vsub.f32 v30, v5;
	v11 =	vperm.xlane v8, v2;
	v12 =	vperm.xlane v9, v3  }
0x75: {  	v6 =	vmul.f32 $1.442695020e+00, v6;
	(erf) = vpow2.f32 v7  }
0x76: {  	v7 =	vmul.f32 $1.442695020e+00, v10;
	v8 =	vmax.f32 v8, v11;
	v28 =	vmax.f32 v9, v12  }
0x77: {  	v9 =	vperm.xlane v8, v3;
	vm0 =	veq.f32 v15, v28;
	vm1 =	veq.f32 v16, v28  }
0x78: {  	vm2 =	veq.f32 v26, v28;
	v15 =	vsel vm0, $0xFF800000, v15;
	vm0 =	veq.f32 v17, v28  }
0x79: {  	v16 =	vsel vm1, $0xFF800000, v16;
	v26 =	vsel vm2, $0xFF800000, v26;
	v27 =	vsel vm0, $0xFF800000, v17  }
0x7a: {  	(erf) = vpow2.f32 v6;
	v6 =	vmax.f32 v15, v16;
	v10 =	vmax.f32 v27, v26  }
0x7b: {  	(erf) = vpow2.f32 v7;
	v7 =	vmax.f32 v8, v9;
	v6 =	vmax.f32 v6, v10  }
0x7c: {  	vm0 =	veq.f32 v25, v7;
	vm1 =	veq.f32 v22, v7;
	v8 =	vperm.xlane v6, v0  }
0x7d: {  	vm2 =	veq.f32 v23, v7;
	vm3 =	veq.f32 v24, v7;
	v12 =	vsub.f32 v7, v5  }
0x7e: {  	v25 =	vsel vm0, $0xFF800000, v25;
	v22 =	vsel vm1, $0xFF800000, v22;
	v10 =	vmax.f32 v6, v8  }
0x7f: {  	v23 =	vsel vm2, $0xFF800000, v23;
	v24 =	vsel vm3, $0xFF800000, v24;
	v17 =	vperm.xlane v10, v1  }
0x80: {  	v9 =	vpop (erf);
	v29 =	vmax.f32 v25, v22;
	v30 =	vmax.f32 v23, v24  }
0x81: {  	v11 =	vpop (erf);
	v29 =	vmax.f32 v29, v30;
	v30 =	vmul.f32 $1.442695020e+00, v12;
	v17 =	vmax.f32 v10, v17  }
0x82: {  	v31 =	vperm.xlane v29, v0;
	v6 =	vpop (erf);
	v32 =	vperm.xlane v17, v2  }
0x83: {  	v7 =	vpop (erf)  }
0x84: {  	v29 =	vmax.f32 v29, v31;
	v8 =	vpop (erf);
	(erf) = vpow2.f32 v30;
	v17 =	vmax.f32 v17, v32  }
0x85: {  	v33 =	vadd.f32 $1.000000000e+00, v9;
	v31 =	vperm.xlane v29, v1;
	v32 =	vperm.xlane v17, v3;
	_ =	sdelay $0x1  }
0x86: {  	v30 =	vadd.f32 v11, v33;
	v10 =	vpop (erf);
	v29 =	vmax.f32 v29, v31;
	v62 =	vmax.f32 v17, v32  }
0x87: {  	v12 =	vpop (erf);
	v31 =	vperm.xlane v29, v2;
	vm0 =	veq.f32 v15, v62;
	vm1 =	veq.f32 v16, v62  }
0x88: {  	v9 =	vpop (erf);
	v34 =	vsel vm0, $0xFF800000, v15;
	vm0 =	veq.f32 v27, v62;
	v17 =	vsel vm1, $0xFF800000, v16  }
0x89: {  	v11 =	vpop (erf);
	vm2 =	veq.f32 v26, v62;
	v16 =	vsel vm0, $0xFF800000, v27;
	v27 =	vmax.f32 v34, v17  }
0x8a: {  	v18 =	vsub.f32 v18, v14;
	v61 =	vpop (erf);
	v15 =	vsel vm2, $0xFF800000, v26  }
0x8b: {  	v30 =	vadd.f32 v61, v30;
	v26 =	vmax.f32 v29, v31;
	v29 =	vmax.f32 v16, v15  }
0x8c: {  	v18 =	vmul.f32 $1.442695020e+00, v18;
	v29 =	vmax.f32 v27, v29;
	v27 =	vpop (erf)  }
0x8d: {  	v19 =	vsub.f32 v19, v14;
	v27 =	vadd.f32 v27, v30;
	v30 =	vperm.xlane v29, v0  }
0x8e: {  	v20 =	vsub.f32 v20, v14  }
0x8f: {  	v19 =	vmul.f32 $1.442695020e+00, v19;
	(erf) = vpow2.f32 v18;
	v29 =	vmax.f32 v29, v30  }
0x90: {  	v21 =	vsub.f32 v21, v14;
	v18 =	vmul.f32 $1.442695020e+00, v20;
	v30 =	vperm.xlane v29, v1  }
0x91: {  	(erf) = vpow2.f32 v19;
	v31 =	vperm.xlane v26, v3  }
0x92: {  	(erf) = vpow2.f32 v18;
	v18 =	vmul.f32 $1.442695020e+00, v21;
	v20 =	vmax.f32 v29, v30  }
0x93: {  	v21 =	vsub.f32 v28, v14;
	v26 =	vmax.f32 v26, v31;
	v31 =	vperm.xlane v20, v2  }
0x94: {  	s15 =	simm.s32 $0x80;
	(erf) = vpow2.f32 v18;
	v28 =	vsub.f32 v62, v14;
	vm3 =	veq.f32 v25, v26  }
0x95: {  	v19 =	vld [tilespmem:s15+$0x60];
	vm4 =	veq.f32 v22, v26;
	v30 =	vsel vm3, $0xFF800000, v25;
	v25 =	vmax.f32 v20, v31  }
0x96: {  	vm8 =	veq.f32 v34, $-Inf;
	v32 =	vsel vm4, $0xFF800000, v22;
	v29 =	vld [tilespmem:s15+$0x40];
	v22 =	vperm.xlane v25, v3  }
0x97: {  	vm2 =	veq.f32 v17, $-Inf;
	vm5 =	veq.f32 v23, v26;
	vm3 =	veq.f32 v24, v26;
	v20 =	vld [tilespmem:s15+$0x50]  }
0x98: {  	v31 =	vsel vm5, $0xFF800000, v23;
	v23 =	vmul.f32 $1.442695020e+00, v21;
	v21 =	vld [tilespmem:s15+$0x70];
	v18 =	vmax.f32 v25, v22  }
0x99: {  	v33 =	vsel vm3, $0xFF800000, v24;
	v24 =	vmax.f32 v30, v32;
	v25 =	vsub.f32 v18, v14  }
0x9a: {  	(erf) = vpow2.f32 v23;
	v23 =	vsub.f32 v26, v5;
	v22 =	vmul.f32 $1.442695020e+00, v28  }
0x9b: {  	v63 =	vpop (erf);
	v28 =	vmax.f32 v31, v33;
	vm3 =	veq.f32 v34, v18;
	v37 =	vmul.f32 $1.442695020e+00, v25  }
0x9c: {  	v26 =	vld [tilespmem:s15+$0x0];
	v34 =	vadd.f32 $1.000000000e+00, v63;
	v39 =	vmul.f32 $1.442695020e+00, v23;
	v35 =	vmax.f32 v24, v28  }
0x9d: {  	v28 =	vld [tilespmem:s15+$0x20];
	(erf) = vpow2.f32 v22;
	v38 =	vmax.f32 v29, v20;
	v23 =	vmax.f32 v19, v21  }
0x9e: {  	vm7 =	veq.f32 v16, $-Inf;
	v25 =	vld [tilespmem:s15+$0x10];
	v23 =	vmax.f32 v38, v23;
	v22 =	vpop (erf);
	(erf) = vpow2.f32 v37  }
0x9f: {  	s16 =	simm.s32 $0x400;
	v38 =	vperm.xlane v35, v0;
	v36 =	vadd.f32 v22, v34;
	v22 =	vld [tilespmem:s15+$0x30];
	(erf) = vpow2.f32 v39;
	v37 =	vpop (erf)  }
.LBB2_3:
0xa0: {  	v24 =	vimm.s32 $0x0  }
0xa1: {  	v34 =	vperm.xlane v23, v0;
	vm0 =	veq.f32 v16, v18;
	v55 =	vimm.s32 $0x0  }
0xa2: {  	vm5 =	veq.f32 v15, v18;
	v14 =	vsub.f32 v13, v14;
	v24 =	vsel vm7, $0xFFFFFFFF, v24  }
0xa3: {  	v37 =	vadd.f32 v37, v36;
	vm7 =	veq.f32 v17, v18;
	v17 =	vsel vm0, $0xFFFFFFFF, v55;
	[tilespmem:$0x1FFE0] =	vst v24  }
0xa4: {  	[tilespmem:$0x1FFF0] =	vst v17;
	v16 =	vpop (erf);
	v23 =	vmax.f32 v23, v34;
	v24 =	vmax.f32 v26, v25;
	v17 =	vmax.f32 v28, v22  }
0xa5: {  	v16 =	vadd.f32 v16, v37;
	v17 =	vmax.f32 v24, v17;
	v24 =	vperm.xlane v23, v1  }
0xa6: {  	vm6 =	veq.f32 v15, $-Inf;
	v35 =	vmax.f32 v35, v38;
	v57 =	vpop (erf);
	v58 =	vperm.xlane v17, v0  }
0xa7: {  	v56 =	vperm.xlane v35, v1;
	v16 =	vadd.f32 v57, v16;
	v18 =	vmax.f32 v23, v24  }
0xa8: {  	v14 =	vmul.f32 $1.442695020e+00, v14;
	v13 =	vpop (erf);
	v17 =	vmax.f32 v17, v58;
	v24 =	vperm.xlane v18, v2  }
0xa9: {  	v23 =	vmax.f32 v35, v56;
	v59 =	vadd.f32 v13, v16;
	v13 =	vmovc v21;
	v21 =	vperm.xlane v17, v1  }
0xaa: {  	vm4 =	vmmov vm2;
	v15 =	vpop (erf);
	v18 =	vmax.f32 v18, v24;
	v24 =	vperm.xlane v23, v2  }
0xab: {  	v15 =	vadd.f32 v15, v59;
	v16 =	vpop (erf);
	(erf) = vpow2.f32 v14;
	v17 =	vmax.f32 v17, v21  }
0xac: {  	vm2 =	vmmov vm8;
	v21 =	vperm.xlane v18, v3;
	v60 =	vperm.xlane v17, v2  }
0xad: {  	v61 =	vadd.f32 v16, v27;
	v23 =	vmax.f32 v23, v24;
	(erf) = vrcp.f32 v15  }
0xae: {  	v14 =	vmax.f32 v18, v21;
	v15 =	vperm.xlane v23, v3;
	v16 =	vmax.f32 v17, v60  }
0xaf: {  	vm8 =	veq.f32 v29, v14;
	vm9 =	veq.f32 v20, v14;
	vm10 =	veq.f32 v13, v14  }
0xb0: {  	v27 =	vsub.f32 v29, v14;
	v21 =	vsel vm8, $0xFF800000, v29;
	vm8 =	veq.f32 v19, v14  }
0xb1: {  	v62 =	vsel vm9, $0xFF800000, v20;
	v45 =	vsel vm10, $0xFF800000, v13;
	v63 =	vsel vm8, $0xFF800000, v19  }
0xb2: {  	v17 =	vperm.xlane v16, v3;
	v18 =	vmax.f32 v21, v62;
	v24 =	vmax.f32 v63, v45  }
0xb3: {  	v46 =	vmax.f32 v23, v15;
	v20 =	vsub.f32 v20, v14;
	v18 =	vmax.f32 v18, v24  }
0xb4: {  	vm8 =	veq.f32 v30, v46;
	v29 =	vmax.f32 v16, v17;
	v23 =	vperm.xlane v18, v0  }
0xb5: {  	vm9 =	veq.f32 v26, v29;
	vm10 =	veq.f32 v25, v29;
	vm11 =	veq.f32 v28, v29  }
0xb6: {  	v16 =	vpop (erf);
	v39 =	vsel vm9, $0xFF800000, v26;
	vm9 =	veq.f32 v22, v29;
	v17 =	vmax.f32 v18, v23  }
0xb7: {  	v40 =	vsel vm10, $0xFF800000, v25;
	v41 =	vsel vm11, $0xFF800000, v28;
	v15 =	vpop (erf);
	v18 =	vperm.xlane v17, v1  }
0xb8: {  	vm10 =	veq.f32 v31, v46;
	v42 =	vsel vm9, $0xFF800000, v22;
	v16 =	vmul.f32 v15, v16  }
0xb9: {  	v23 =	vmax.f32 v39, v40;
	v24 =	vmax.f32 v41, v42;
	v17 =	vmax.f32 v17, v18  }
0xba: {  	vm9 =	veq.f32 v32, v46;
	[tilespmem:s14+$0x2070] =	vst v16;
	v18 =	vmax.f32 v23, v24;
	v16 =	vperm.xlane v17, v2  }
0xbb: {  	v24 =	vsel vm8, $0xFF800000, v30;
	vm8 =	veq.f32 v33, v46;
	v43 =	vperm.xlane v18, v0  }
0xbc: {  	v23 =	vsel vm9, $0xFF800000, v32;
	v30 =	vmax.f32 v17, v16;
	v16 =	vsel vm10, $0xFF800000, v31  }
0xbd: {  	v31 =	vmax.f32 v18, v43;
	v17 =	vsel vm8, $0xFF800000, v33;
	v18 =	vperm.xlane v30, v3  }
0xbe: {  	v48 =	vmax.f32 v24, v23;
	v47 =	vperm.xlane v31, v1;
	v49 =	vmax.f32 v16, v17  }
0xbf: {  	v27 =	vmul.f32 $1.442695020e+00, v27;
	v33 =	vmax.f32 v48, v49;
	v18 =	vmax.f32 v30, v18  }
0xc0: {  	v30 =	vsub.f32 v46, v5;
	v31 =	vmax.f32 v31, v47;
	v53 =	vperm.xlane v33, v0  }
0xc1: {  	vm8 =	veq.f32 v21, v18;
	vm9 =	veq.f32 v62, v18;
	vm10 =	veq.f32 v45, v18  }
0xc2: {  	v50 =	vsel vm8, $0xFF800000, v21;
	vm8 =	veq.f32 v63, v18;
	v21 =	vperm.xlane v31, v2  }
0xc3: {  	v35 =	vsel vm9, $0xFF800000, v62;
	v37 =	vsel vm10, $0xFF800000, v45;
	v36 =	vsel vm8, $0xFF800000, v63  }
0xc4: {  	v51 =	vmax.f32 v50, v35;
	v52 =	vmax.f32 v36, v37;
	v21 =	vmax.f32 v31, v21  }
0xc5: {  	v30 =	vmul.f32 $1.442695020e+00, v30;
	v38 =	vmax.f32 v51, v52;
	v44 =	vperm.xlane v21, v3  }
0xc6: {  	v20 =	vmul.f32 $1.442695020e+00, v20;
	v59 =	vsub.f32 v22, v29;
	v31 =	vperm.xlane v38, v0  }
0xc7: {  	v33 =	vmax.f32 v33, v53;
	(erf) = vpow2.f32 v30;
	v21 =	vmax.f32 v21, v44  }
0xc8: {  	v30 =	vmax.f32 v38, v31;
	v31 =	vperm.xlane v33, v1;
	vm8 =	veq.f32 v39, v21  }
0xc9: {  	vm9 =	veq.f32 v40, v21;
	vm10 =	veq.f32 v41, v21;
	v38 =	vperm.xlane v30, v1  }
0xca: {  	v39 =	vsel vm8, $0xFF800000, v39;
	vm8 =	veq.f32 v42, v21;
	v21 =	vsub.f32 v21, v29  }
0xcb: {  	v42 =	vsel vm8, $0xFF800000, v42;
	v31 =	vmax.f32 v33, v31;
	v30 =	vmax.f32 v30, v38  }
0xcc: {  	v38 =	vsel vm9, $0xFF800000, v40;
	v40 =	vsel vm10, $0xFF800000, v41;
	v54 =	vperm.xlane v30, v2  }
0xcd: {  	v22 =	vperm.xlane v31, v2;
	v55 =	vmax.f32 v39, v38;
	v56 =	vmax.f32 v40, v42  }
0xce: {  	v57 =	vmul.f32 $1.442695020e+00, v21;
	v58 =	vmax.f32 v55, v56;
	v30 =	vmax.f32 v30, v54  }
0xcf: {  	v22 =	vmax.f32 v31, v22;
	v43 =	vperm.xlane v58, v0;
	v21 =	vperm.xlane v30, v3  }
0xd0: {  	v45 =	vpop (erf);
	(erf) = vpow2.f32 v57;
	v49 =	vperm.xlane v22, v3  }
0xd1: {  	v60 =	vmax.f32 v58, v43;
	v21 =	vmax.f32 v30, v21;
	v30 =	vadd.f32 v45, v61  }
0xd2: {  	v45 =	vperm.xlane v60, v1;
	vm8 =	veq.f32 v50, v21;
	vm9 =	veq.f32 v35, v21  }
0xd3: {  	vm10 =	veq.f32 v37, v21;
	v32 =	vsel vm8, $0xFF800000, v50;
	vm8 =	veq.f32 v36, v21  }
0xd4: {  	v61 =	vsel vm9, $0xFF800000, v35;
	v63 =	vsel vm10, $0xFF800000, v37;
	v62 =	vsel vm8, $0xFF800000, v36  }
0xd5: {  	v31 =	vmax.f32 v60, v45;
	v46 =	vmax.f32 v32, v61;
	v47 =	vmax.f32 v62, v63  }
0xd6: {  	v52 =	vmax.f32 v22, v49;
	v50 =	vperm.xlane v31, v2;
	v41 =	vmax.f32 v46, v47  }
0xd7: {  	v26 =	vsub.f32 v26, v29;
	v54 =	vsub.f32 v52, v5;
	v48 =	vperm.xlane v41, v0  }
0xd8: {  	v25 =	vsub.f32 v25, v29;
	v51 =	vsub.f32 v19, v14;
	v31 =	vmax.f32 v31, v50  }
0xd9: {  	v55 =	vmul.f32 $1.442695020e+00, v54;
	v43 =	vperm.xlane v31, v3;
	v19 =	vmax.f32 v41, v48  }
0xda: {  	v28 =	vsub.f32 v28, v29;
	v26 =	vmul.f32 $1.442695020e+00, v26;
	v53 =	vperm.xlane v19, v1  }
0xdb: {  	v25 =	vmul.f32 $1.442695020e+00, v25;
	v22 =	vpop (erf);
	(erf) = vpow2.f32 v55;
	v31 =	vmax.f32 v31, v43  }
0xdc: {  	vm8 =	veq.f32 v39, v31;
	vm9 =	veq.f32 v38, v31;
	v19 =	vmax.f32 v19, v53  }
0xdd: {  	vm10 =	veq.f32 v40, v31;
	v39 =	vsel vm8, $0xFF800000, v39;
	v56 =	vperm.xlane v19, v2  }
0xde: {  	v5 =	vmovc v29;
	vm8 =	veq.f32 v42, v31;
	v38 =	vsel vm9, $0xFF800000, v38;
	v40 =	vsel vm10, $0xFF800000, v40  }
0xdf: {  	v31 =	vsub.f32 v31, v5;
	v42 =	vsel vm8, $0xFF800000, v42;
	v19 =	vmax.f32 v19, v56  }
0xe0: {  	v57 =	vmax.f32 v39, v38;
	v58 =	vmax.f32 v40, v42;
	v41 =	vperm.xlane v19, v3  }
0xe1: {  	v29 =	vmul.f32 $1.442695020e+00, v59;
	v31 =	vmul.f32 $1.442695020e+00, v31;
	v59 =	vmax.f32 v57, v58  }
0xe2: {  	v28 =	vmul.f32 $1.442695020e+00, v28;
	v60 =	vperm.xlane v59, v0;
	v19 =	vmax.f32 v19, v41  }
0xe3: {  	(erf) = vpow2.f32 v31;
	vm8 =	veq.f32 v32, v19;
	vm9 =	veq.f32 v61, v19  }
0xe4: {  	vm10 =	veq.f32 v63, v19;
	v32 =	vsel vm8, $0xFF800000, v32;
	vm8 =	veq.f32 v62, v19  }
0xe5: {  	v34 =	vsel vm9, $0xFF800000, v61;
	v36 =	vsel vm10, $0xFF800000, v63;
	v35 =	vsel vm8, $0xFF800000, v62  }
0xe6: {  	(erf) = vpow2.f32 v26;
	v61 =	vmax.f32 v32, v34;
	v62 =	vmax.f32 v35, v36  }
0xe7: {  	v37 =	vmax.f32 v59, v60;
	(erf) = vpow2.f32 v25;
	v43 =	vmax.f32 v61, v62  }
0xe8: {  	v25 =	vpop (erf);
	v49 =	vperm.xlane v37, v1;
	v63 =	vperm.xlane v43, v0  }
0xe9: {  	v48 =	vmul.f32 $1.442695020e+00, v51;
	(erf) = vpow2.f32 v28;
	v25 =	vadd.f32 v25, v30  }
0xea: {  	(erf) = vpow2.f32 v29;
	v26 =	vmax.f32 v37, v49;
	v31 =	vmax.f32 v43, v63  }
0xeb: {  	vm12 =	veq.f32 v24, $-Inf;
	v51 =	vperm.xlane v26, v2;
	v50 =	vperm.xlane v31, v1  }
0xec: {  	vm11 =	veq.f32 v17, v52;
	v22 =	vadd.f32 $1.000000000e+00, v22;
	(erf) = vrcp.f32 v25  }
0xed: {  	(erf) = vpow2.f32 v27;
	v26 =	vmax.f32 v26, v51;
	v28 =	vmax.f32 v31, v50  }
0xee: {  	vm10 =	veq.f32 v24, v52;
	v30 =	vperm.xlane v26, v3;
	v29 =	vperm.xlane v28, v2  }
0xef: {  	vm9 =	veq.f32 v16, v52;
	vm8 =	veq.f32 v23, v52;
	(erf) = vpow2.f32 v20  }
0xf0: {  	(erf) = vpow2.f32 v48;
	v24 =	vmax.f32 v26, v30;
	v27 =	vmax.f32 v28, v29  }
0xf1: {  	vm13 =	veq.f32 v39, v24;
	vm14 =	veq.f32 v38, v24;
	v20 =	vperm.xlane v27, v3  }
0xf2: {  	vm15 =	veq.f32 v40, v24;
	v26 =	vsel vm13, $0xFF800000, v39;
	vm13 =	veq.f32 v42, v24  }
0xf3: {  	v56 =	vsel vm15, $0xFF800000, v40;
	v24 =	vsub.f32 v24, v5;
	v20 =	vmax.f32 v27, v20  }
0xf4: {  	v28 =	vsel vm14, $0xFF800000, v38;
	vm14 =	veq.f32 v32, v20;
	vm0 =	veq.f32 v34, v20  }
0xf5: {  	vm1 =	veq.f32 v36, v20;
	v30 =	vsel vm14, $0xFF800000, v32;
	vm14 =	veq.f32 v35, v20  }
0xf6: {  	v25 =	vpop (erf);
	v52 =	vsel vm0, $0xFF800000, v34;
	v54 =	vsel vm1, $0xFF800000, v36;
	v53 =	vsel vm14, $0xFF800000, v35  }
0xf7: {  	v60 =	vsel vm13, $0xFF800000, v42;
	v27 =	vpop (erf);
	v57 =	vmax.f32 v30, v52;
	v58 =	vmax.f32 v53, v54  }
0xf8: {  	v42 =	vmax.f32 v56, v60;
	v61 =	vmax.f32 v26, v28;
	v29 =	vpop (erf);
	v37 =	vmax.f32 v57, v58  }
0xf9: {  	v25 =	vadd.f32 v25, v22;
	v22 =	vmax.f32 v61, v42;
	v31 =	vpop (erf);
	v43 =	vperm.xlane v37, v0  }
0xfa: {  	vm13 =	veq.f32 v23, $-Inf;
	v23 =	vmul.f32 $1.442695020e+00, v24;
	v24 =	vperm.xlane v22, v0;
	v55 =	vpop (erf)  }
0xfb: {  	v59 =	vpop (erf);
	v37 =	vmax.f32 v37, v43  }
0xfc: {  	vm14 =	veq.f32 v16, $-Inf;
	v16 =	vmax.f32 v22, v24;
	v62 =	vpop (erf);
	v47 =	vperm.xlane v37, v1  }
0xfd: {  	vm10 =	vmor vm12, vm10;
	vm15 =	veq.f32 v17, $-Inf;
	v22 =	vperm.xlane v16, v1;
	v63 =	vpop (erf)  }
0xfe: {  	vm12 =	vmor vm13, vm8;
	v46 =	vpop (erf);
	(erf) = vpow2.f32 v23;
	v23 =	vmax.f32 v37, v47  }
0xff: {  	v17 =	vmul.f32 v59, v6;
	v6 =	vmovc v27;
	v16 =	vmax.f32 v16, v22;
	v27 =	vperm.xlane v23, v2  }
0x100: {  	vm8 =	vmor vm15, vm11;
	v24 =	vmul.f32 v59, v7;
	v22 =	vperm.xlane v16, v2  }
0x101: {  	vm1 =	vmor vm2, vm3;
	v7 =	vmovc v29;
	v29 =	vmul.f32 v59, v10;
	[tilespmem:s14+$0x2000] =	vst v17;
	v23 =	vmax.f32 v23, v27  }
0x102: {  	v17 =	vmul.f32 v59, v8;
	[tilespmem:s14+$0x2010] =	vst v24;
	v16 =	vmax.f32 v16, v22;
	v24 =	vperm.xlane v23, v3  }
0x103: {  	vm2 =	vmor vm4, vm7;
	v8 =	vmovc v31;
	v31 =	vmul.f32 v15, v12;
	v27 =	vperm.xlane v16, v3  }
0x104: {  	[tilespmem:s14+$0x2020] =	vst v17;
	v17 =	vmul.f32 v15, v9;
	v15 =	vmul.f32 v15, v11;
	v22 =	vmax.f32 v23, v24  }
0x105: {  	v16 =	vmax.f32 v16, v27;
	vm0 =	veq.f32 v30, v22;
	vm3 =	veq.f32 v52, v22  }
0x106: {  	[tilespmem:s14+$0x2060] =	vst v15;
	vm7 =	veq.f32 v54, v22;
	v15 =	vsel vm0, $0xFF800000, v30;
	vm0 =	veq.f32 v53, v22  }
0x107: {  	[tilespmem:s14+$0x2030] =	vst v29;
	v23 =	vsel vm3, $0xFF800000, v52;
	v29 =	vsel vm7, $0xFF800000, v54;
	v24 =	vsel vm0, $0xFF800000, v53  }
0x108: {  	vm11 =	veq.f32 v60, v16;
	v27 =	vmax.f32 v15, v23;
	v30 =	vmax.f32 v24, v29  }
0x109: {  	v48 =	vsel vm11, $0xFF800000, v60;
	vm3 =	veq.f32 v28, v16;
	v27 =	vmax.f32 v27, v30  }
0x10a: {  	vm7 =	veq.f32 v56, v16;
	vm0 =	veq.f32 v26, v16;
	v30 =	vperm.xlane v27, v0  }
0x10b: {  	[tilespmem:s14+$0x2040] =	vst v31;
	v28 =	vsel vm3, $0xFF800000, v28;
	v31 =	vsel vm7, $0xFF800000, v56;
	v26 =	vsel vm0, $0xFF800000, v26  }
0x10c: {  	[tilespmem:s14+$0x2050] =	vst v17;
	v17 =	vpop (erf);
	v49 =	vmax.f32 v26, v28;
	v27 =	vmax.f32 v27, v30;
	v30 =	vmax.f32 v31, v48  }
0x10d: {  	v25 =	vadd.f32 v17, v25;
	v17 =	vmax.f32 v49, v30;
	v30 =	vld [tilespmem:$0x1FFE0];
	_ =	sdelay $0x3  }
0x10e: {  	v16 =	vsub.f32 v16, v5;
	v50 =	vperm.xlane v27, v1  }
0x10f: {  	vm0 =	vnez.u8 v30;
	v30 =	vld [tilespmem:$0x1FFF0]  }
0x110: {  	v16 =	vmul.f32 $1.442695020e+00, v16;
	v27 =	vmax.f32 v27, v50  }
0x111: {  	v51 =	vperm.xlane v27, v2  }
0x112: {  	vm9 =	vmor vm14, vm9;
	(erf) = vpow2.f32 v16;
	v16 =	vsel vm12, $0x3F800000, v4  }
0x113: {  	[tilespmem:s14+$0x4010] =	vst v16;
	v16 =	vsel vm9, $0x3F800000, v4;
	v27 =	vmax.f32 v27, v51  }
0x114: {  	v32 =	vperm.xlane v27, v3;
	vm3 =	vnez.u8 v30;
	v30 =	vperm.xlane v17, v0  }
0x115: {  	v18 =	vsub.f32 v18, v14;
	v53 =	vsel vm1, $0x3F800000, v4;
	[tilespmem:s14+$0x4020] =	vst v16;
	v16 =	vsel vm8, $0x3F800000, v4  }
0x116: {  	v10 =	vmovc v55;
	[tilespmem:s14+$0x4030] =	vst v16;
	v16 =	vsel vm2, $0x3F800000, v4;
	v55 =	vmax.f32 v27, v32;
	v17 =	vmax.f32 v17, v30  }
0x117: {  	vm0 =	vmor vm0, vm3;
	vm3 =	vmor vm6, vm5;
	v30 =	vperm.xlane v17, v1  }
0x118: {  	vm1 =	veq.f32 v23, v55;
	vm2 =	veq.f32 v29, v55;
	v27 =	vsel vm3, $0x3F800000, v4  }
0x119: {  	v30 =	vmax.f32 v17, v30;
	v17 =	vsel vm0, $0x3F800000, v4;
	vm0 =	veq.f32 v15, v55  }
0x11a: {  	[tilespmem:s14+$0x4050] =	vst v16;
	v54 =	vperm.xlane v30, v2;
	v56 =	vsel vm0, $0xFF800000, v15;
	vm0 =	veq.f32 v24, v55  }
0x11b: {  	[tilespmem:s14+$0x4060] =	vst v17;
	v17 =	vsel vm1, $0xFF800000, v23;
	v15 =	vsel vm2, $0xFF800000, v29;
	v16 =	vsel vm0, $0xFF800000, v24  }
0x11c: {  	v24 =	vmax.f32 v56, v17;
	v23 =	vmax.f32 v30, v54;
	v30 =	vmax.f32 v16, v15  }
0x11d: {  	v18 =	vmul.f32 $1.442695020e+00, v18;
	v21 =	vsub.f32 v21, v14;
	[tilespmem:s14+$0x4070] =	vst v27;
	v27 =	vpop (erf);
	v24 =	vmax.f32 v24, v30  }
0x11e: {  	v19 =	vsub.f32 v19, v14;
	v27 =	vadd.f32 v27, v25;
	v25 =	vperm.xlane v24, v0  }
0x11f: {  	v21 =	vmul.f32 $1.442695020e+00, v21;
	v20 =	vsub.f32 v20, v14;
	v52 =	vsel vm10, $0x3F800000, v4  }
0x120: {  	(erf) = vpow2.f32 v18;
	v18 =	vmul.f32 $1.442695020e+00, v19;
	v24 =	vmax.f32 v24, v25  }
0x121: {  	(erf) = vpow2.f32 v21;
	v21 =	vsub.f32 v22, v14;
	v25 =	vperm.xlane v24, v1  }
0x122: {  	vm8 =	veq.f32 v56, $-Inf;
	vm2 =	veq.f32 v17, $-Inf;
	v29 =	vperm.xlane v23, v3  }
0x123: {  	(erf) = vpow2.f32 v18;
	v18 =	vmul.f32 $1.442695020e+00, v20;
	v19 =	vmax.f32 v24, v25  }
0x124: {  	[tilespmem:s14+$0x4000] =	vst v52;
	vm7 =	veq.f32 v16, $-Inf;
	v23 =	vmax.f32 v23, v29;
	v24 =	vperm.xlane v19, v2  }
0x125: {  	[tilespmem:s14+$0x4040] =	vst v53;
	s14 =	smov.u32 s15;
	s15 =	sshra.s32 s16, $0x2;
	(erf) = vpow2.f32 v18;
	vm0 =	veq.f32 v26, v23;
	vm1 =	veq.f32 v28, v23  }
0x126: {  	v20 =	vld [tilespmem:s15+$0x50];
	vm3 =	veq.f32 v31, v23;
	v58 =	vsub.f32 v23, v5;
	v22 =	vmax.f32 v19, v24  }
0x127: {  	v29 =	vld [tilespmem:s15+$0x40];
	v30 =	vsel vm0, $0xFF800000, v26;
	vm0 =	veq.f32 v48, v23;
	v24 =	vperm.xlane v22, v3  }
0x128: {  	v32 =	vsel vm1, $0xFF800000, v28;
	v31 =	vsel vm3, $0xFF800000, v31;
	v25 =	vmul.f32 $1.442695020e+00, v21;
	v21 =	vld [tilespmem:s15+$0x70]  }
0x129: {  	v12 =	vmovc v62;
	v28 =	vsub.f32 v55, v14;
	v33 =	vsel vm0, $0xFF800000, v48;
	v19 =	vld [tilespmem:s15+$0x60];
	v18 =	vmax.f32 v22, v24  }
0x12a: {  	p0 =	sne.s32 s16, $0x7E00;
	v57 =	vmax.f32 v30, v32;
	v60 =	vpop (erf);
	v62 =	vmul.f32 $1.442695020e+00, v58;
	v24 =	vsub.f32 v18, v14  }
.Ltmp0:
0x12b: {  	v59 =	vmax.f32 v31, v33;
	v34 =	vadd.f32 $1.000000000e+00, v60;
	v22 =	vmul.f32 $1.442695020e+00, v28;
	(pc) =	sbr.rel @p0 .LBB2_3-.Ltmp0, $4  }
0x12c: {  	v26 =	vld [tilespmem:s15+$0x0];
	v23 =	vpop (erf);
	v61 =	vmax.f32 v29, v20;
	(erf) = vpow2.f32 v25;
	v24 =	vmul.f32 $1.442695020e+00, v24  }
0x12d: {  	v9 =	vmovc v63;
	v35 =	vmax.f32 v57, v59;
	v25 =	vld [tilespmem:s15+$0x10];
	v36 =	vadd.f32 v23, v34;
	(erf) = vpow2.f32 v22  }
0x12e: {  	v37 =	vpop (erf);
	v38 =	vperm.xlane v35, v0;
	v28 =	vld [tilespmem:s15+$0x20];
	v63 =	vmax.f32 v19, v21;
	(erf) = vpow2.f32 v24  }
0x12f: {  	v11 =	vmovc v46;
	s16 =	sadd.s32 $0x200, s16;
	vm3 =	veq.f32 v56, v18;
	v22 =	vld [tilespmem:s15+$0x30];
	v23 =	vmax.f32 v61, v63;
	(erf) = vpow2.f32 v62  }
0x130: {  	v24 =	vperm.xlane v23, v0;
	_ =	sdelay $0x1  }
0x131: {  	v23 =	vmax.f32 v23, v24  }
0x132: {  	v24 =	vperm.xlane v23, v1  }
0x133: {  	v34 =	vmax.f32 v26, v25;
	v39 =	vmax.f32 v28, v22  }
0x134: {  	v34 =	vmax.f32 v34, v39;
	v23 =	vmax.f32 v23, v24  }
0x135: {  	v61 =	vperm.xlane v34, v0;
	v62 =	vperm.xlane v23, v2;
	_ =	sdelay $0x1  }
0x136: {  	v24 =	vmax.f32 v34, v61;
	v23 =	vmax.f32 v23, v62  }
0x137: {  	v34 =	vperm.xlane v24, v1;
	v39 =	vperm.xlane v23, v3;
	_ =	sdelay $0x1  }
0x138: {  	v24 =	vmax.f32 v24, v34;
	v23 =	vmax.f32 v23, v39  }
0x139: {  	v34 =	vperm.xlane v24, v2;
	vm0 =	veq.f32 v29, v23;
	vm1 =	veq.f32 v20, v23  }
0x13a: {  	vm12 =	veq.f32 v19, v23;
	vm4 =	veq.f32 v21, v23;
	v63 =	vsel vm0, $0xFF800000, v29  }
0x13b: {  	v40 =	vsel vm1, $0xFF800000, v20;
	v41 =	vsel vm12, $0xFF800000, v19;
	v42 =	vsel vm4, $0xFF800000, v21  }
0x13c: {  	v43 =	vmax.f32 v63, v40;
	v44 =	vmax.f32 v41, v42  }
0x13d: {  	v24 =	vmax.f32 v24, v34;
	v51 =	vmax.f32 v43, v44  }
0x13e: {  	v52 =	vperm.xlane v24, v3;
	v44 =	vperm.xlane v51, v0;
	_ =	sdelay $0x1  }
0x13f: {  	v24 =	vmax.f32 v24, v52;
	v34 =	vmax.f32 v51, v44  }
0x140: {  	vm13 =	veq.f32 v26, v24;
	v53 =	vperm.xlane v34, v1  }
0x141: {  	vm14 =	veq.f32 v25, v24;
	vm15 =	veq.f32 v28, v24;
	vm6 =	veq.f32 v22, v24  }
0x142: {  	v54 =	vsel vm13, $0xFF800000, v26;
	v45 =	vsel vm14, $0xFF800000, v25;
	v34 =	vmax.f32 v34, v53  }
0x143: {  	v43 =	vsel vm15, $0xFF800000, v28;
	v46 =	vsel vm6, $0xFF800000, v22;
	v47 =	vperm.xlane v34, v2  }
0x144: {  	v48 =	vmax.f32 v54, v45;
	v49 =	vmax.f32 v43, v46  }
0x145: {  	v48 =	vmax.f32 v48, v49;
	v34 =	vmax.f32 v34, v47  }
0x146: {  	v55 =	vperm.xlane v48, v0;
	v56 =	vperm.xlane v34, v3;
	_ =	sdelay $0x1  }
0x147: {  	v36 =	vadd.f32 v37, v36;
	v47 =	vmax.f32 v48, v55;
	v34 =	vmax.f32 v34, v56  }
0x148: {  	v48 =	vperm.xlane v47, v1;
	vm9 =	veq.f32 v63, v34;
	vm10 =	veq.f32 v40, v34  }
0x149: {  	vm11 =	veq.f32 v41, v34;
	vm12 =	veq.f32 v42, v34;
	v39 =	vsel vm9, $0xFF800000, v63  }
0x14a: {  	v40 =	vsel vm10, $0xFF800000, v40;
	v41 =	vsel vm11, $0xFF800000, v41;
	v42 =	vsel vm12, $0xFF800000, v42  }
0x14b: {  	v59 =	vpop (erf);
	v47 =	vmax.f32 v47, v48;
	v57 =	vmax.f32 v39, v40;
	v58 =	vmax.f32 v41, v42  }
0x14c: {  	v36 =	vadd.f32 v59, v36;
	v60 =	vperm.xlane v47, v2;
	v37 =	vmax.f32 v57, v58  }
0x14d: {  	v35 =	vmax.f32 v35, v38;
	v50 =	vpop (erf);
	v61 =	vperm.xlane v37, v0  }
0x14e: {  	v13 =	vsub.f32 v13, v14;
	v36 =	vadd.f32 v50, v36;
	v38 =	vmax.f32 v47, v60  }
0x14f: {  	v62 =	vperm.xlane v35, v1;
	v47 =	vperm.xlane v38, v3;
	v37 =	vmax.f32 v37, v61  }
0x150: {  	v13 =	vmul.f32 $1.442695020e+00, v13;
	v63 =	vpop (erf);
	v48 =	vperm.xlane v37, v1  }
0x151: {  	v49 =	vmax.f32 v35, v62;
	v14 =	vadd.f32 v63, v36;
	v36 =	vmax.f32 v38, v47  }
0x152: {  	v52 =	vperm.xlane v49, v2;
	vm13 =	veq.f32 v54, v36;
	v51 =	vmax.f32 v37, v48  }
0x153: {  	vm14 =	veq.f32 v45, v36;
	vm15 =	veq.f32 v43, v36;
	v53 =	vperm.xlane v51, v2  }
0x154: {  	vm6 =	veq.f32 v46, v36;
	v44 =	vsel vm13, $0xFF800000, v54;
	v45 =	vsel vm14, $0xFF800000, v45  }
0x155: {  	v43 =	vsel vm15, $0xFF800000, v43;
	v46 =	vsel vm6, $0xFF800000, v46;
	v35 =	vmax.f32 v51, v53  }
0x156: {  	v54 =	vpop (erf);
	v56 =	vmax.f32 v44, v45;
	v57 =	vmax.f32 v43, v46;
	v55 =	vperm.xlane v35, v3  }
0x157: {  	(erf) = vpow2.f32 v13;
	v14 =	vadd.f32 v54, v14;
	v58 =	vmax.f32 v56, v57  }
0x158: {  	v37 =	vmax.f32 v49, v52;
	v38 =	vperm.xlane v58, v0;
	v35 =	vmax.f32 v35, v55  }
0x159: {  	v49 =	vperm.xlane v37, v3;
	vm9 =	veq.f32 v39, v35;
	vm10 =	veq.f32 v40, v35  }
0x15a: {  	vm11 =	veq.f32 v41, v35;
	vm12 =	veq.f32 v42, v35;
	v39 =	vsel vm9, $0xFF800000, v39  }
0x15b: {  	v40 =	vsel vm10, $0xFF800000, v40;
	v41 =	vsel vm11, $0xFF800000, v41;
	v42 =	vsel vm12, $0xFF800000, v42  }
0x15c: {  	v13 =	vmax.f32 v58, v38;
	v59 =	vmax.f32 v39, v40;
	v60 =	vmax.f32 v41, v42  }
0x15d: {  	v62 =	vperm.xlane v13, v1;
	v61 =	vmax.f32 v59, v60  }
0x15e: {  	(erf) = vrcp.f32 v14;
	v37 =	vmax.f32 v37, v49;
	v48 =	vperm.xlane v61, v0  }
0x15f: {  	vm13 =	veq.f32 v30, v37;
	vm14 =	veq.f32 v32, v37;
	v13 =	vmax.f32 v13, v62  }
0x160: {  	vm15 =	veq.f32 v31, v37;
	v47 =	vperm.xlane v13, v2;
	v38 =	vmax.f32 v61, v48  }
0x161: {  	vm6 =	veq.f32 v33, v37;
	v52 =	vsub.f32 v37, v5;
	v48 =	vperm.xlane v38, v1  }
0x162: {  	v14 =	vsel vm13, $0xFF800000, v30;
	v30 =	vsel vm14, $0xFF800000, v32;
	v47 =	vmax.f32 v13, v47  }
0x163: {  	v31 =	vsel vm15, $0xFF800000, v31;
	v63 =	vperm.xlane v47, v3;
	v38 =	vmax.f32 v38, v48  }
0x164: {  	v53 =	vmax.f32 v14, v30;
	v13 =	vsel vm6, $0xFF800000, v33;
	v48 =	vperm.xlane v38, v2  }
0x165: {  	v33 =	vmul.f32 $1.442695020e+00, v52;
	v59 =	vmax.f32 v31, v13;
	v47 =	vmax.f32 v47, v63  }
0x166: {  	v37 =	vmax.f32 v53, v59;
	vm9 =	veq.f32 v44, v47;
	v54 =	vmax.f32 v38, v48  }
0x167: {  	vm10 =	veq.f32 v45, v47;
	vm11 =	veq.f32 v43, v47;
	v38 =	vperm.xlane v54, v3  }
0x168: {  	vm12 =	veq.f32 v46, v47;
	v44 =	vsel vm9, $0xFF800000, v44;
	v45 =	vsel vm10, $0xFF800000, v45  }
0x169: {  	v57 =	vmax.f32 v44, v45;
	v32 =	vmax.f32 v54, v38;
	v38 =	vsel vm11, $0xFF800000, v43  }
0x16a: {  	v43 =	vsel vm12, $0xFF800000, v46;
	vm13 =	veq.f32 v39, v32;
	vm14 =	veq.f32 v40, v32  }
0x16b: {  	vm15 =	veq.f32 v41, v32;
	vm5 =	veq.f32 v42, v32;
	v58 =	vmax.f32 v38, v43  }
0x16c: {  	v39 =	vsel vm13, $0xFF800000, v39;
	v40 =	vsel vm14, $0xFF800000, v40;
	v49 =	vmax.f32 v57, v58  }
0x16d: {  	v41 =	vsel vm15, $0xFF800000, v41;
	v42 =	vsel vm5, $0xFF800000, v42;
	v61 =	vperm.xlane v49, v0  }
0x16e: {  	(erf) = vpow2.f32 v33;
	v55 =	vmax.f32 v39, v40;
	v56 =	vmax.f32 v41, v42  }
0x16f: {  	v51 =	vperm.xlane v37, v0;
	v46 =	vmax.f32 v55, v56;
	v33 =	vmax.f32 v49, v61  }
0x170: {  	v60 =	vperm.xlane v46, v0;
	v49 =	vperm.xlane v33, v1  }
0x171: {  	v36 =	vsub.f32 v36, v24;
	v37 =	vmax.f32 v37, v51  }
0x172: {  	v51 =	vperm.xlane v37, v1;
	v46 =	vmax.f32 v46, v60;
	v33 =	vmax.f32 v33, v49  }
0x173: {  	v63 =	vperm.xlane v46, v1;
	v54 =	vperm.xlane v33, v2  }
0x174: {  	v36 =	vmul.f32 $1.442695020e+00, v36;
	v37 =	vmax.f32 v37, v51  }
0x175: {  	v55 =	vperm.xlane v37, v2;
	v46 =	vmax.f32 v46, v63;
	v33 =	vmax.f32 v33, v54  }
0x176: {  	v50 =	vsub.f32 v26, v24;
	v62 =	vpop (erf);
	v48 =	vperm.xlane v46, v2;
	v58 =	vperm.xlane v33, v3  }
0x177: {  	v27 =	vadd.f32 v62, v27;
	v52 =	vsub.f32 v28, v24;
	(erf) = vpow2.f32 v36  }
0x178: {  	v37 =	vmax.f32 v37, v55;
	v46 =	vmax.f32 v46, v48;
	v33 =	vmax.f32 v33, v58  }
0x179: {  	v63 =	vperm.xlane v37, v3;
	v56 =	vperm.xlane v46, v3;
	vm13 =	veq.f32 v44, v33  }
0x17a: {  	vm14 =	veq.f32 v45, v33;
	vm15 =	veq.f32 v38, v33;
	vm5 =	veq.f32 v43, v33  }
0x17b: {  	v28 =	vmax.f32 v46, v56;
	v44 =	vsel vm13, $0xFF800000, v44;
	v45 =	vsel vm14, $0xFF800000, v45  }
0x17c: {  	v38 =	vsel vm15, $0xFF800000, v38;
	vm9 =	veq.f32 v39, v28;
	vm10 =	veq.f32 v40, v28  }
0x17d: {  	vm11 =	veq.f32 v41, v28;
	vm12 =	veq.f32 v42, v28;
	v36 =	vsel vm9, $0xFF800000, v39  }
0x17e: {  	v39 =	vsel vm10, $0xFF800000, v40;
	v40 =	vsel vm11, $0xFF800000, v41;
	v41 =	vsel vm12, $0xFF800000, v42  }
0x17f: {  	v43 =	vsel vm5, $0xFF800000, v43;
	v59 =	vmax.f32 v36, v39;
	v60 =	vmax.f32 v40, v41  }
0x180: {  	v61 =	vmax.f32 v44, v45;
	v62 =	vmax.f32 v38, v43;
	v42 =	vmax.f32 v59, v60  }
0x181: {  	v26 =	vpop (erf);
	v53 =	vsub.f32 v20, v23;
	v48 =	vmax.f32 v61, v62;
	v46 =	vperm.xlane v42, v0  }
0x182: {  	v49 =	vsub.f32 v25, v24;
	v25 =	vpop (erf);
	v20 =	vmax.f32 v37, v63;
	v54 =	vperm.xlane v48, v0  }
0x183: {  	v29 =	vsub.f32 v29, v23;
	v57 =	vpop (erf);
	v5 =	vsub.f32 v20, v5;
	v42 =	vmax.f32 v42, v46  }
0x184: {  	v27 =	vadd.f32 v57, v27;
	v59 =	vmax.f32 v48, v54;
	v57 =	vperm.xlane v42, v1  }
0x185: {  	v22 =	vsub.f32 v22, v24;
	v5 =	vmul.f32 $1.442695020e+00, v5;
	v61 =	vperm.xlane v59, v1  }
0x186: {  	v50 =	vmul.f32 $1.442695020e+00, v50;
	v47 =	vsub.f32 v47, v24;
	v58 =	vmax.f32 v42, v57  }
0x187: {  	(erf) = vpow2.f32 v5;
	v42 =	vmax.f32 v59, v61;
	v60 =	vperm.xlane v58, v2  }
0x188: {  	v62 =	vmul.f32 $1.442695020e+00, v47;
	v5 =	vperm.xlane v42, v2  }
0x189: {  	v22 =	vmul.f32 $1.442695020e+00, v22;
	v51 =	vmul.f32 $1.442695020e+00, v29;
	v37 =	vmax.f32 v58, v60  }
0x18a: {  	(erf) = vpow2.f32 v62;
	v5 =	vmax.f32 v42, v5;
	v63 =	vperm.xlane v37, v3  }
0x18b: {  	v19 =	vsub.f32 v19, v23;
	v48 =	vmul.f32 $1.442695020e+00, v52;
	v52 =	vperm.xlane v5, v3  }
0x18c: {  	v49 =	vmul.f32 $1.442695020e+00, v49;
	(erf) = vpow2.f32 v50;
	v37 =	vmax.f32 v37, v63  }
0x18d: {  	v5 =	vmax.f32 v5, v52;
	vm6 =	veq.f32 v36, v37;
	vm9 =	veq.f32 v39, v37  }
0x18e: {  	vm10 =	veq.f32 v40, v37;
	vm11 =	veq.f32 v41, v37;
	vm12 =	veq.f32 v44, v5  }
0x18f: {  	vm13 =	veq.f32 v45, v5;
	vm14 =	veq.f32 v38, v5;
	v36 =	vsel vm6, $0xFF800000, v36  }
0x190: {  	v39 =	vsel vm9, $0xFF800000, v39;
	v40 =	vsel vm10, $0xFF800000, v40;
	v41 =	vsel vm11, $0xFF800000, v41  }
0x191: {  	vm15 =	veq.f32 v43, v5;
	v54 =	vmax.f32 v36, v39;
	v55 =	vmax.f32 v40, v41  }
0x192: {  	v44 =	vsel vm12, $0xFF800000, v44;
	v45 =	vsel vm13, $0xFF800000, v45;
	v42 =	vmax.f32 v54, v55  }
0x193: {  	v38 =	vsel vm14, $0xFF800000, v38;
	v43 =	vsel vm15, $0xFF800000, v43;
	v56 =	vperm.xlane v42, v0  }
0x194: {  	(erf) = vpow2.f32 v49;
	v57 =	vmax.f32 v44, v45;
	v58 =	vmax.f32 v38, v43  }
0x195: {  	(erf) = vpow2.f32 v48;
	v46 =	vmax.f32 v57, v58;
	v42 =	vmax.f32 v42, v56  }
0x196: {  	v29 =	vpop (erf);
	v47 =	vperm.xlane v46, v0;
	v60 =	vperm.xlane v42, v1  }
0x197: {  	v19 =	vmul.f32 $1.442695020e+00, v19;
	(erf) = vpow2.f32 v22;
	v59 =	vpop (erf)  }
0x198: {  	v27 =	vadd.f32 v59, v27;
	v49 =	vmax.f32 v46, v47;
	v62 =	vmax.f32 v42, v60  }
0x199: {  	v46 =	vperm.xlane v49, v1;
	v63 =	vperm.xlane v62, v2  }
0x19a: {  	v34 =	vsub.f32 v34, v23;
	v61 =	vmul.f32 $1.442695020e+00, v53;
	(erf) = vrcp.f32 v27  }
0x19b: {  	(erf) = vpow2.f32 v51;
	v42 =	vmax.f32 v49, v46;
	v22 =	vmax.f32 v62, v63  }
0x19c: {  	v52 =	vperm.xlane v42, v2;
	v51 =	vperm.xlane v22, v3  }
0x19d: {  	v34 =	vmul.f32 $1.442695020e+00, v34;
	v50 =	vsub.f32 v33, v24;
	(erf) = vpow2.f32 v61  }
0x19e: {  	(erf) = vpow2.f32 v19;
	v55 =	vmax.f32 v42, v52;
	v48 =	vmax.f32 v22, v51  }
0x19f: {  	v54 =	vsub.f32 v5, v24;
	v56 =	vperm.xlane v55, v3;
	vm9 =	veq.f32 v36, v48  }
0x1a0: {  	vm10 =	veq.f32 v39, v48;
	vm11 =	veq.f32 v40, v48;
	vm12 =	veq.f32 v41, v48  }
0x1a1: {  	v27 =	vsel vm9, $0xFF800000, v36;
	v22 =	vsel vm10, $0xFF800000, v39;
	v19 =	vsel vm11, $0xFF800000, v40  }
0x1a2: {  	v5 =	vsel vm12, $0xFF800000, v41;
	v40 =	vmax.f32 v55, v56;
	v39 =	vmax.f32 v27, v22  }
0x1a3: {  	v57 =	vmax.f32 v19, v5;
	vm13 =	veq.f32 v44, v40;
	vm14 =	veq.f32 v45, v40  }
0x1a4: {  	vm15 =	veq.f32 v38, v40;
	vm6 =	veq.f32 v43, v40;
	v58 =	vsel vm13, $0xFF800000, v44  }
0x1a5: {  	v59 =	vsel vm14, $0xFF800000, v45;
	v60 =	vsel vm15, $0xFF800000, v38;
	v43 =	vsel vm6, $0xFF800000, v43  }
0x1a6: {  	v33 =	vmax.f32 v39, v57;
	v61 =	vmax.f32 v58, v59;
	v38 =	vmax.f32 v60, v43  }
0x1a7: {  	v28 =	vsub.f32 v28, v23;
	v39 =	vperm.xlane v33, v0;
	v36 =	vmax.f32 v61, v38  }
0x1a8: {  	v53 =	vmul.f32 $1.442695020e+00, v50;
	v38 =	vperm.xlane v36, v0  }
0x1a9: {  	v35 =	vsub.f32 v35, v23;
	v28 =	vmul.f32 $1.442695020e+00, v28;
	v33 =	vmax.f32 v33, v39  }
0x1aa: {  	(erf) = vpow2.f32 v53;
	v39 =	vperm.xlane v33, v1;
	v36 =	vmax.f32 v36, v38  }
0x1ab: {  	v46 =	vpop (erf);
	v62 =	vmul.f32 $1.442695020e+00, v54;
	v52 =	vperm.xlane v36, v1  }
0x1ac: {  	v53 =	vmul.f32 $1.442695020e+00, v35;
	v63 =	vsub.f32 v32, v23;
	v32 =	vpop (erf);
	v39 =	vmax.f32 v33, v39  }
0x1ad: {  	(erf) = vpow2.f32 v62;
	v33 =	vpop (erf);
	v54 =	vperm.xlane v39, v2;
	v36 =	vmax.f32 v36, v52  }
0x1ae: {  	(erf) = vpow2.f32 v34;
	v35 =	vpop (erf);
	v45 =	vperm.xlane v36, v2  }
0x1af: {  	v55 =	vsub.f32 v37, v23;
	v38 =	vmul.f32 $1.442695020e+00, v63;
	v34 =	vpop (erf);
	v39 =	vmax.f32 v39, v54  }
0x1b0: {  	(erf) = vpow2.f32 v53;
	v47 =	vpop (erf);
	v56 =	vperm.xlane v39, v3;
	v45 =	vmax.f32 v36, v45  }
0x1b1: {  	v48 =	vsub.f32 v48, v23;
	v36 =	vpop (erf);
	(erf) = vpow2.f32 v38;
	v57 =	vperm.xlane v45, v3  }
0x1b2: {  	v49 =	vmul.f32 $1.442695020e+00, v55;
	v37 =	vpop (erf);
	(erf) = vpow2.f32 v28;
	v28 =	vmax.f32 v39, v56  }
0x1b3: {  	v48 =	vmul.f32 $1.442695020e+00, v48;
	v50 =	vsub.f32 v28, v23;
	v45 =	vmax.f32 v45, v57  }
0x1b4: {  	v38 =	vpop (erf);
	(erf) = vpow2.f32 v49;
	vm9 =	veq.f32 v58, v45;
	vm1 =	veq.f32 v59, v45  }
0x1b5: {  	v51 =	vpop (erf);
	vm4 =	veq.f32 v60, v45;
	vm10 =	veq.f32 v43, v45;
	v41 =	vsel vm9, $0xFF800000, v58  }
0x1b6: {  	v49 =	vpop (erf);
	v42 =	vsel vm1, $0xFF800000, v59;
	v44 =	vsel vm4, $0xFF800000, v60;
	v39 =	vsel vm10, $0xFF800000, v43  }
0x1b7: {  	v50 =	vmul.f32 $1.442695020e+00, v50;
	v58 =	vpop (erf);
	v60 =	vmax.f32 v41, v42;
	v61 =	vmax.f32 v44, v39  }
0x1b8: {  	(erf) = vpow2.f32 v48;
	v59 =	vadd.f32 $1.000000000e+00, v58;
	v62 =	vmax.f32 v60, v61  }
0x1b9: {  	v63 =	vpop (erf);
	v53 =	vperm.xlane v62, v0  }
0x1ba: {  	(erf) = vpow2.f32 v50;
	v43 =	vadd.f32 v63, v59  }
0x1bb: {  	v55 =	vpop (erf);
	v48 =	vmax.f32 v62, v53  }
0x1bc: {  	v43 =	vadd.f32 v55, v43;
	v56 =	vperm.xlane v48, v1  }
0x1bd: {  	v57 =	vpop (erf)  }
0x1be: {  	v43 =	vadd.f32 v57, v43;
	v48 =	vmax.f32 v48, v56  }
0x1bf: {  	v58 =	vpop (erf);
	v59 =	vperm.xlane v48, v2  }
0x1c0: {  	v40 =	vsub.f32 v40, v24;
	v43 =	vadd.f32 v58, v43  }
0x1c1: {  	v60 =	vsub.f32 v21, v23;
	v61 =	vpop (erf);
	v48 =	vmax.f32 v48, v59  }
0x1c2: {  	v40 =	vmul.f32 $1.442695020e+00, v40;
	v23 =	vadd.f32 v61, v43;
	v62 =	vperm.xlane v48, v3  }
0x1c3: {  	v45 =	vsub.f32 v45, v24;
	v21 =	vmul.f32 $1.442695020e+00, v60;
	v63 =	vpop (erf)  }
0x1c4: {  	(erf) = vpow2.f32 v40;
	v23 =	vadd.f32 v63, v23;
	v48 =	vmax.f32 v48, v62  }
0x1c5: {  	v50 =	vmul.f32 $1.442695020e+00, v45;
	(erf) = vpow2.f32 v21;
	v24 =	vsub.f32 v48, v24  }
0x1c6: {  	(erf) = vrcp.f32 v23  }
0x1c7: {  	v52 =	vadd.f32 $1.000000000e+00, v29;
	(erf) = vpow2.f32 v50;
	v53 =	vmul.f32 $1.442695020e+00, v24;
	_ =	sdelay $0x1  }
0x1c8: {  	v21 =	vadd.f32 v46, v52;
	(erf) = vpow2.f32 v53;
	_ =	sdelay $0x1  }
0x1c9: {  	v21 =	vadd.f32 v51, v21;
	_ =	sdelay $0x1  }
0x1ca: {  	v12 =	vmul.f32 v25, v12;
	v21 =	vadd.f32 v49, v21;
	v54 =	vpop (erf)  }
0x1cb: {  	v7 =	vmul.f32 v47, v7;
	v56 =	vpop (erf)  }
0x1cc: {  	[tilespmem:s14+$0x2040] =	vst v12;
	v6 =	vmul.f32 v47, v6;
	v21 =	vadd.f32 v54, v21;
	v57 =	vpop (erf)  }
0x1cd: {  	[tilespmem:s14+$0x2010] =	vst v7;
	v7 =	vmul.f32 v47, v10;
	v58 =	vpop (erf)  }
0x1ce: {  	vm11 =	veq.f32 v14, v20;
	[tilespmem:s14+$0x2000] =	vst v6;
	v6 =	vmul.f32 v47, v8;
	v59 =	vadd.f32 v58, v21  }
0x1cf: {  	vm12 =	veq.f32 v30, v20;
	vm6 =	veq.f32 v30, $-Inf;
	[tilespmem:s14+$0x2030] =	vst v7;
	v7 =	vmul.f32 v25, v11;
	v60 =	vpop (erf)  }
0x1d0: {  	vm13 =	veq.f32 v31, v20;
	[tilespmem:s14+$0x2020] =	vst v6;
	vm1 =	vmor vm6, vm12;
	v6 =	vadd.f32 v60, v59  }
0x1d1: {  	vm14 =	veq.f32 v14, $-Inf;
	[tilespmem:s14+$0x2060] =	vst v7;
	v7 =	vsel vm1, $0x3F800000, v4;
	v55 =	vmul.f32 v25, v26  }
0x1d2: {  	vm15 =	veq.f32 v31, $-Inf;
	[tilespmem:s14+$0x4010] =	vst v7;
	v61 =	vmul.f32 v25, v9;
	(erf) = vrcp.f32 v6  }
0x1d3: {  	vm0 =	vmor vm14, vm11;
	vm4 =	vmor vm15, vm13;
	[tilespmem:s14+$0x2070] =	vst v55  }
0x1d4: {  	vm6 =	veq.f32 v13, v20;
	vm9 =	veq.f32 v13, $-Inf;
	[tilespmem:s14+$0x2050] =	vst v61;
	v6 =	vsel vm0, $0x3F800000, v4  }
0x1d5: {  	vm11 =	veq.f32 v17, v18;
	vm0 =	vmor vm9, vm6;
	[tilespmem:s14+$0x4000] =	vst v6;
	v6 =	vsel vm4, $0x3F800000, v4  }
0x1d6: {  	vm14 =	veq.f32 v15, $-Inf;
	vm10 =	vmor vm8, vm3;
	v7 =	vsel vm0, $0x3F800000, v4;
	[tilespmem:s14+$0x4020] =	vst v6  }
0x1d7: {  	vm2 =	vmor vm2, vm11;
	vm12 =	veq.f32 v16, v18;
	v6 =	vsel vm10, $0x3F800000, v4;
	[tilespmem:s14+$0x4030] =	vst v7  }
0x1d8: {  	vm13 =	veq.f32 v15, v18;
	vm0 =	vmor vm7, vm12;
	v7 =	vsel vm2, $0x3F800000, v4;
	[tilespmem:s14+$0x4040] =	vst v6  }
0x1d9: {  	vm1 =	vmor vm14, vm13;
	v6 =	vsel vm0, $0x3F800000, v4;
	[tilespmem:s14+$0x4050] =	vst v7  }
0x1da: {  	v63 =	vmul.f32 v57, v36;
	v7 =	vsel vm1, $0x3F800000, v4;
	[tilespmem:s14+$0x4060] =	vst v6  }
0x1db: {  	v6 =	vmul.f32 v57, v56;
	[tilespmem:s14+$0x4070] =	vst v7;
	v62 =	vpop (erf)  }
0x1dc: {  	vm11 =	veq.f32 v42, $-Inf;
	[tilespmem:s15+$0x2040] =	vst v63;
	v7 =	vmul.f32 v62, v32  }
0x1dd: {  	vm14 =	veq.f32 v39, $-Inf;
	vm15 =	veq.f32 v41, v48;
	[tilespmem:s15+$0x2070] =	vst v6;
	v6 =	vmul.f32 v62, v33  }
0x1de: {  	vm8 =	veq.f32 v42, v48;
	vm13 =	veq.f32 v39, v48;
	[tilespmem:s15+$0x2000] =	vst v7;
	v7 =	vmul.f32 v62, v35  }
0x1df: {  	vm3 =	vmor vm14, vm13;
	vm14 =	veq.f32 v5, v28;
	[tilespmem:s15+$0x2010] =	vst v6;
	v6 =	vmul.f32 v62, v34  }
0x1e0: {  	vm9 =	veq.f32 v44, v48;
	vm12 =	veq.f32 v44, $-Inf;
	[tilespmem:s15+$0x2020] =	vst v7;
	v7 =	vmul.f32 v57, v37  }
0x1e1: {  	vm10 =	veq.f32 v41, $-Inf;
	vm2 =	vmor vm12, vm9;
	[tilespmem:s15+$0x2030] =	vst v6;
	v6 =	vmul.f32 v57, v38  }
0x1e2: {  	vm9 =	veq.f32 v27, v28;
	vm12 =	veq.f32 v19, v28;
	vm0 =	vmor vm10, vm15;
	[tilespmem:s15+$0x2050] =	vst v7  }
0x1e3: {  	vm1 =	vmor vm11, vm8;
	vm10 =	veq.f32 v19, $-Inf;
	[tilespmem:s15+$0x2060] =	vst v6;
	v6 =	vsel vm0, $0x3F800000, v4  }
0x1e4: {  	vm15 =	veq.f32 v27, $-Inf;
	vm13 =	vmor vm10, vm12;
	v7 =	vsel vm1, $0x3F800000, v4;
	[tilespmem:s15+$0x4000] =	vst v6  }
0x1e5: {  	vm1 =	vmor vm15, vm9;
	vm15 =	veq.f32 v5, $-Inf;
	v5 =	vsel vm13, $0x3F800000, v4;
	[tilespmem:s15+$0x4010] =	vst v7  }
0x1e6: {  	v6 =	vsel vm2, $0x3F800000, v4;
	[tilespmem:s15+$0x4060] =	vst v5  }
0x1e7: {  	vm8 =	veq.f32 v22, $-Inf;
	vm11 =	veq.f32 v22, v28;
	v7 =	vsel vm3, $0x3F800000, v4;
	[tilespmem:s15+$0x4020] =	vst v6  }
0x1e8: {  	vm0 =	vmor vm8, vm11;
	v6 =	vsel vm1, $0x3F800000, v4;
	[tilespmem:s15+$0x4030] =	vst v7  }
0x1e9: {  	v7 =	vsel vm0, $0x3F800000, v4;
	vm0 =	vmor vm15, vm14;
	[tilespmem:s15+$0x4040] =	vst v6  }
0x1ea: {  	[tilespmem:s15+$0x4050] =	vst v7;
	v6 =	vsel vm0, $0x3F800000, v4  }
0x1eb: {  	s30 =	sadd.s32 s3, s13;
	[tilespmem:s15+$0x4070] =	vst v6  }
0x1ec: {  	[hbm4b:s30+s2] =	stream.linear.scatter [tilespmem:s9], [sflag:$0x1], $0x2000, $0x38;
	[tilespmem:$0x6000] =	vst v63  }
0x1ed: {  	s12 =	sadd.s32 $0x1, s12;
	_ =	swait.ge [sflag:s8], $0x2000  }
0x1ee: {  	p0 =	sne.s32 s12, $0x8;
	[sflag:s8] =	ssyncset.done $0x0  }
.Ltmp1:
0x1ef: {  	s31 =	sadd.s32 s5, s13;
	[sflag:s8] =	ssyncadd.s32 $0xFFFFE000;
	(pc) =	sbr.rel @p0 .LBB2_2-.Ltmp1, $4  }
0x1f0: {  	[hbm4b:s31+s2] =	stream.linear.scatter [tilespmem:s10], [sflag:$0x1], $0x2000, $0x38;
	[tilespmem:$0x6000] =	vst v63  }
0x1f1: {  	_ =	swait.ge [sflag:s8], $0x2000  }
0x1f2: {  	[sflag:s8] =	ssyncset.done $0x0  }
0x1f3: {  	[sflag:s8] =	ssyncadd.s32 $0xFFFFE000  }
0x1f4: {  	s11 =	sadd.s32 $0x1, s11  }
0x1f5: {  	p0 =	sne.s32 s11, s7  }
.Ltmp2:
0x1f6: {  	_ = 	snop;
	(pc) =	sbr.rel @p0 .LBB2_1-.Ltmp2, $1  }
0x1f7: {  	_ =	sdelay $0x3  }
0x1f8: {  	_ =	sfence.sel $0x180000  }
0x1f9: {  	[bflag:$0x0] =	sbarrier.arrive $0xFFFF  }
0x1fa: {  	p0 =	sne.s32 s4, $0x0;
	_ =	strace $0x90000047  }
0x1fb: {  	s0 =	sadd.s32 @!p0 $0x100000, s1;
	[bflag:$0x2] =	sbarrier.arrive $0xFFFF  }
0x1fc: {  	[sflag:s0] =	ssyncadd.tile.s32 @!p0 $0x1;
	_ =	shalt  }
.Lfunc_end2:
_tile_overlayer_lowered:
.L_overlay_start_2:
0x1fd: {  	(tag) =	ssettag $0x2  }
0x1fe: {  	s0 =	rddreg [dreg:$0x0];
	s2 =	stileid.u32  }
0x1ff: {  	s1 =	rddreg [dreg:$0x1];
	p0 =	sne.s32 s2, $0x0  }
0x200: {  	s3 =	rddreg [dreg:$0x2];
	[bflag:$0x3] =	sbarrier.arrive $0xFFFF;
	s2 =	simm.s32 @!p0 $0x1C01  }
0x201: {  	[timem:s3], [sflag:s2] =	dma.local @!p0 [hbm:s0], s1  }
0x202: {  	s0 =	simm.s32 @!p0 $0x1  }
0x203: {  	_ =	swait.ge @!p0 [sflag:s0], s1  }
0x204: {  	s1 =	ssub.s32 @!p0 $0x0, s1;
	[sflag:s0] =	ssyncset.done @!p0 $0x0  }
0x205: {  	[sflag:s0] =	ssyncadd.s32 @!p0 s1  }
0x206: {  	[bflag:$0x3] =	sbarrier.arrive $0xFFFF  }
0x207: {  	_ =	shalt  }

</sc_bundles>
